<compile_context>
chip_gen: v7x
topology: tpu7x:2x2x1
jax: 0.10.2.dev20260603
libtpu: 0.0.44.dev20260713+nightly
codegen_flags: <defaults>
</compile_context>

<pallas_src>
import jax
import jax.numpy as jnp
from jax import lax
from jax.experimental import pallas as pl
from jax.experimental.pallas import tpu as pltpu
from jax.experimental.pallas import tpu_sc as plsc

B = 16384
D = 32
NC = 2
NS = 16
NW = NC * NS
BW = B // NW
GCH = 128
LANES = 16


def _gmf_body(uidx_hbm, iidx_hbm, utab_hbm, itab_hbm, w_hbm, b_hbm, out_hbm,
              uidx_v, iidx_v, urows_v, irows_v, w_v, b_v, out_v, sem):
    wid = lax.axis_index("s") * NC + lax.axis_index("c")
    base = wid * BW

    copies = []
    for j in range(BW // GCH):
        copies.append(pltpu.async_copy(
            uidx_hbm.at[pl.ds(base + j * GCH, GCH)], uidx_v.at[j], sem))
        copies.append(pltpu.async_copy(
            iidx_hbm.at[pl.ds(base + j * GCH, GCH)], iidx_v.at[j], sem))
    pltpu.sync_copy(w_hbm, w_v)
    pltpu.sync_copy(b_hbm, b_v)
    for c in copies:
        c.wait()

    copies = []
    for j in range(BW // GCH):
        copies.append(pltpu.async_copy(utab_hbm.at[uidx_v.at[j]], urows_v.at[j], sem))
        copies.append(pltpu.async_copy(itab_hbm.at[iidx_v.at[j]], irows_v.at[j], sem))
    for c in copies:
        c.wait()

    wk = [w_v[k, :] for k in range(D)]
    bb = b_v[...]

    lane_iota = lax.iota(jnp.int32, LANES)

    def chunk_body(c, carry):
        rows = c * LANES + lane_iota
        ch = lax.shift_right_logical(rows, 7)
        rw = lax.bitwise_and(rows, jnp.int32(GCH - 1))
        acc = jnp.zeros((LANES,), jnp.float32)
        for k in range(D):
            cols = jnp.full((LANES,), k, jnp.int32)
            gu = plsc.load_gather(urows_v, [ch, rw, cols])
            gi = plsc.load_gather(irows_v, [ch, rw, cols])
            acc = acc + gu * gi * wk[k]
        x = acc + bb
        y = 1.0 / (1.0 + jnp.exp(-x))
        out_v[pl.ds(c * LANES, LANES)] = y
        return carry

    lax.fori_loop(0, BW // LANES, chunk_body, 0)

    pltpu.sync_copy(out_v, out_hbm.at[pl.ds(base, BW)])


@jax.jit
def _gmf(user_indices, item_indices, user_table, item_table, W, b):
    mesh = plsc.VectorSubcoreMesh(core_axis_name="c", subcore_axis_name="s",
                                  num_cores=NC, num_subcores=NS)
    flat = pl.kernel(
        _gmf_body,
        out_type=jax.ShapeDtypeStruct((B,), jnp.float32),
        mesh=mesh,
        compiler_params=pltpu.CompilerParams(needs_layout_passes=False,
                                             use_tc_tiling_on_sc=False),
        scratch_types=[
            pltpu.VMEM((BW // GCH, GCH), jnp.int32),
            pltpu.VMEM((BW // GCH, GCH), jnp.int32),
            pltpu.VMEM((BW // GCH, GCH, D), jnp.float32),
            pltpu.VMEM((BW // GCH, GCH, D), jnp.float32),
            pltpu.VMEM((D, LANES), jnp.float32),
            pltpu.VMEM((LANES,), jnp.float32),
            pltpu.VMEM((BW,), jnp.float32),
            pltpu.SemaphoreType.DMA,
        ],
    )(user_indices, item_indices, user_table, item_table,
      jnp.broadcast_to(W.reshape(D, 1), (D, LANES)),
      jnp.broadcast_to(b, (LANES,)))
    return flat.reshape(B, 1)


def kernel(user_indices, item_indices, user_table, item_table, W, b):
    return _gmf(user_indices, item_indices, user_table, item_table, W, b)

# --- scband reference (transcript-rebuilt; emitter-appended) ---
"""Pipeline reference for scband-gmf-81570018886309 (READ-ONLY COPY).

The authoritative reference and input builder live on the scoring server;
editing this copy changes nothing except your own understanding.
"""

import jax, jax.numpy as jnp
import numpy as np

NUM_USERS = 1000000
NUM_FILMS = 1000000
EMBED_DIM = 32
BATCH = 16384


def setup_inputs(seed: int = 0) -> dict:
    key = jax.random.key(seed)
    k1, k2, k3, k4, k5, k6 = jax.random.split(key, 6)
    user_indices = jax.random.randint(k1, (BATCH,), 0, NUM_USERS, dtype=jnp.int64 if jax.config.jax_enable_x64 else jnp.int32)
    item_indices = jax.random.randint(k2, (BATCH,), 0, NUM_FILMS, dtype=jnp.int64 if jax.config.jax_enable_x64 else jnp.int32)
    user_table = jax.random.normal(k3, (NUM_USERS, EMBED_DIM), dtype=jnp.float32)
    item_table = jax.random.normal(k4, (NUM_FILMS, EMBED_DIM), dtype=jnp.float32)
    W = jax.random.normal(k5, (EMBED_DIM, 1), dtype=jnp.float32) * (1.0 / np.sqrt(EMBED_DIM))
    b = jax.random.normal(k6, (1,), dtype=jnp.float32) * 0.01
    return {"user_indices": user_indices, "item_indices": item_indices,
            "user_table": user_table, "item_table": item_table, "W": W, "b": b}


def reference(user_indices, item_indices, user_table, item_table, W, b):
    user_embedding = jnp.take(user_table, user_indices, axis=0)
    item_embedding = jnp.take(item_table, item_indices, axis=0)
    x = user_embedding * item_embedding
    x = x @ W + b
    x = jax.nn.sigmoid(x)
    return x

if __name__ == "__main__":
    import jax
    _d = setup_inputs()
    print(jax.jit(kernel)(*tuple(_d.values())))

</pallas_src>

<mosaic_0001>
#map = affine_map<(d0, d1) -> (0)>
#map1 = affine_map<(d0, d1) -> (0, 0)>
module attributes {stable_mosaic.version = 14 : i64} {
  func.func @_gmf_body(%arg0: i32, %arg1: i32, %arg2: memref<16384xi32, #tpu.memory_space<hbm>>, %arg3: memref<16384xi32, #tpu.memory_space<hbm>>, %arg4: memref<1000000x32xf32, #tpu.memory_space<hbm>>, %arg5: memref<1000000x32xf32, #tpu.memory_space<hbm>>, %arg6: memref<32x16xf32, #tpu.memory_space<hbm>>, %arg7: memref<16xf32, #tpu.memory_space<hbm>>, %arg8: memref<16384xf32, #tpu.memory_space<hbm>>, %arg9: memref<4x128xi32, #tpu.memory_space<vmem>>, %arg10: memref<4x128xi32, #tpu.memory_space<vmem>>, %arg11: memref<4x128x32xf32, #tpu.memory_space<vmem>>, %arg12: memref<4x128x32xf32, #tpu.memory_space<vmem>>, %arg13: memref<32x16xf32, #tpu.memory_space<vmem>>, %arg14: memref<16xf32, #tpu.memory_space<vmem>>, %arg15: memref<512xf32, #tpu.memory_space<vmem>>, %arg16: memref<!tpu.dma_semaphore, #tpu.memory_space<semaphore_mem>>) attributes {dimension_semantics = [#tpu.dimension_semantics<core_parallel>, #tpu.dimension_semantics<subcore_parallel>], iteration_bounds = array<i64: 2, 16>, scalar_prefetch = 0 : i64, scratch_operands = 8 : i64, tpu.core_type = #tpu.core_type<sc_vector_subcore>, window_params = [{transform_indices = #map}, {transform_indices = #map}, {transform_indices = #map1}, {transform_indices = #map1}, {transform_indices = #map1}, {transform_indices = #map}, {transform_indices = #map}]} {
    %mul3A = arith.constant 2 : i32
    %mul3A_0 = arith.muli %arg1, %mul3A : i32
    %add3A = arith.addi %mul3A_0, %arg0 : i32
    %mul3A_1 = arith.constant 512 : i32
    %mul3A_2 = arith.muli %add3A, %mul3A_1 : i32
    %add3A_3 = arith.constant 0 : i32
    %add3A_4 = arith.addi %mul3A_2, %add3A_3 : i32
    %dma_start3A = arith.constant 0 : i32
    %dma_start3A_5 = arith.constant 0 : i32
    %dma_start3A_6 = tpu.memref_slice %arg9[%dma_start3A, %dma_start3A_5] : memref<4x128xi32, #tpu.memory_space<vmem>> -> memref<1x128xi32, #tpu.memory_space<vmem>>
    %dma_start3A_7 = tpu.memref_squeeze %dma_start3A_6 : memref<1x128xi32, #tpu.memory_space<vmem>> -> memref<128xi32, #tpu.memory_space<vmem>>
    %dma_start3A_8 = tpu.memref_slice %arg2[%add3A_4] : memref<16384xi32, #tpu.memory_space<hbm>> -> memref<128xi32, #tpu.memory_space<hbm>>
    %dma_start3A_9 = arith.constant 0 : i32
    %dma_start3A_10 = tpu.memref_slice %arg9[%dma_start3A, %dma_start3A_9] : memref<4x128xi32, #tpu.memory_space<vmem>> -> memref<1x128xi32, #tpu.memory_space<vmem>>
    %dma_start3A_11 = tpu.memref_squeeze %dma_start3A_10 : memref<1x128xi32, #tpu.memory_space<vmem>> -> memref<128xi32, #tpu.memory_space<vmem>>
    %dma_start3A_12 = tpu.memref_slice %arg2[%add3A_4] : memref<16384xi32, #tpu.memory_space<hbm>> -> memref<128xi32, #tpu.memory_space<hbm>>
    tpu.enqueue_dma source(%dma_start3A_12 : memref<128xi32, #tpu.memory_space<hbm>>) target(%dma_start3A_11 : memref<128xi32, #tpu.memory_space<vmem>>) target_semaphore(%arg16 : memref<!tpu.dma_semaphore, #tpu.memory_space<semaphore_mem>>)
    %add3A_13 = arith.constant 0 : i32
    %add3A_14 = arith.addi %mul3A_2, %add3A_13 : i32
    %dma_start3A_15 = arith.constant 0 : i32
    %dma_start3A_16 = arith.constant 0 : i32
    %dma_start3A_17 = tpu.memref_slice %arg10[%dma_start3A_15, %dma_start3A_16] : memref<4x128xi32, #tpu.memory_space<vmem>> -> memref<1x128xi32, #tpu.memory_space<vmem>>
    %dma_start3A_18 = tpu.memref_squeeze %dma_start3A_17 : memref<1x128xi32, #tpu.memory_space<vmem>> -> memref<128xi32, #tpu.memory_space<vmem>>
    %dma_start3A_19 = tpu.memref_slice %arg3[%add3A_14] : memref<16384xi32, #tpu.memory_space<hbm>> -> memref<128xi32, #tpu.memory_space<hbm>>
    %dma_start3A_20 = arith.constant 0 : i32
    %dma_start3A_21 = tpu.memref_slice %arg10[%dma_start3A_15, %dma_start3A_20] : memref<4x128xi32, #tpu.memory_space<vmem>> -> memref<1x128xi32, #tpu.memory_space<vmem>>
    %dma_start3A_22 = tpu.memref_squeeze %dma_start3A_21 : memref<1x128xi32, #tpu.memory_space<vmem>> -> memref<128xi32, #tpu.memory_space<vmem>>
    %dma_start3A_23 = tpu.memref_slice %arg3[%add3A_14] : memref<16384xi32, #tpu.memory_space<hbm>> -> memref<128xi32, #tpu.memory_space<hbm>>
    tpu.enqueue_dma source(%dma_start3A_23 : memref<128xi32, #tpu.memory_space<hbm>>) target(%dma_start3A_22 : memref<128xi32, #tpu.memory_space<vmem>>) target_semaphore(%arg16 : memref<!tpu.dma_semaphore, #tpu.memory_space<semaphore_mem>>)
    %add3A_24 = arith.constant 128 : i32
    %add3A_25 = arith.addi %mul3A_2, %add3A_24 : i32
    %dma_start3A_26 = arith.constant 1 : i32
    %dma_start3A_27 = arith.constant 0 : i32
    %dma_start3A_28 = tpu.memref_slice %arg9[%dma_start3A_26, %dma_start3A_27] : memref<4x128xi32, #tpu.memory_space<vmem>> -> memref<1x128xi32, #tpu.memory_space<vmem>>
    %dma_start3A_29 = tpu.memref_squeeze %dma_start3A_28 : memref<1x128xi32, #tpu.memory_space<vmem>> -> memref<128xi32, #tpu.memory_space<vmem>>
    %dma_start3A_30 = tpu.memref_slice %arg2[%add3A_25] : memref<16384xi32, #tpu.memory_space<hbm>> -> memref<128xi32, #tpu.memory_space<hbm>>
    %dma_start3A_31 = arith.constant 0 : i32
    %dma_start3A_32 = tpu.memref_slice %arg9[%dma_start3A_26, %dma_start3A_31] : memref<4x128xi32, #tpu.memory_space<vmem>> -> memref<1x128xi32, #tpu.memory_space<vmem>>
    %dma_start3A_33 = tpu.memref_squeeze %dma_start3A_32 : memref<1x128xi32, #tpu.memory_space<vmem>> -> memref<128xi32, #tpu.memory_space<vmem>>
    %dma_start3A_34 = tpu.memref_slice %arg2[%add3A_25] : memref<16384xi32, #tpu.memory_space<hbm>> -> memref<128xi32, #tpu.memory_space<hbm>>
    tpu.enqueue_dma source(%dma_start3A_34 : memref<128xi32, #tpu.memory_space<hbm>>) target(%dma_start3A_33 : memref<128xi32, #tpu.memory_space<vmem>>) target_semaphore(%arg16 : memref<!tpu.dma_semaphore, #tpu.memory_space<semaphore_mem>>)
    %add3A_35 = arith.constant 128 : i32
    %add3A_36 = arith.addi %mul3A_2, %add3A_35 : i32
    %dma_start3A_37 = arith.constant 1 : i32
    %dma_start3A_38 = arith.constant 0 : i32
    %dma_start3A_39 = tpu.memref_slice %arg10[%dma_start3A_37, %dma_start3A_38] : memref<4x128xi32, #tpu.memory_space<vmem>> -> memref<1x128xi32, #tpu.memory_space<vmem>>
    %dma_start3A_40 = tpu.memref_squeeze %dma_start3A_39 : memref<1x128xi32, #tpu.memory_space<vmem>> -> memref<128xi32, #tpu.memory_space<vmem>>
    %dma_start3A_41 = tpu.memref_slice %arg3[%add3A_36] : memref<16384xi32, #tpu.memory_space<hbm>> -> memref<128xi32, #tpu.memory_space<hbm>>
    %dma_start3A_42 = arith.constant 0 : i32
    %dma_start3A_43 = tpu.memref_slice %arg10[%dma_start3A_37, %dma_start3A_42] : memref<4x128xi32, #tpu.memory_space<vmem>> -> memref<1x128xi32, #tpu.memory_space<vmem>>
    %dma_start3A_44 = tpu.memref_squeeze %dma_start3A_43 : memref<1x128xi32, #tpu.memory_space<vmem>> -> memref<128xi32, #tpu.memory_space<vmem>>
    %dma_start3A_45 = tpu.memref_slice %arg3[%add3A_36] : memref<16384xi32, #tpu.memory_space<hbm>> -> memref<128xi32, #tpu.memory_space<hbm>>
    tpu.enqueue_dma source(%dma_start3A_45 : memref<128xi32, #tpu.memory_space<hbm>>) target(%dma_start3A_44 : memref<128xi32, #tpu.memory_space<vmem>>) target_semaphore(%arg16 : memref<!tpu.dma_semaphore, #tpu.memory_space<semaphore_mem>>)
    %add3A_46 = arith.constant 256 : i32
    %add3A_47 = arith.addi %mul3A_2, %add3A_46 : i32
    %dma_start3A_48 = arith.constant 2 : i32
    %dma_start3A_49 = arith.constant 0 : i32
    %dma_start3A_50 = tpu.memref_slice %arg9[%dma_start3A_48, %dma_start3A_49] : memref<4x128xi32, #tpu.memory_space<vmem>> -> memref<1x128xi32, #tpu.memory_space<vmem>>
    %dma_start3A_51 = tpu.memref_squeeze %dma_start3A_50 : memref<1x128xi32, #tpu.memory_space<vmem>> -> memref<128xi32, #tpu.memory_space<vmem>>
    %dma_start3A_52 = tpu.memref_slice %arg2[%add3A_47] : memref<16384xi32, #tpu.memory_space<hbm>> -> memref<128xi32, #tpu.memory_space<hbm>>
    %dma_start3A_53 = arith.constant 0 : i32
    %dma_start3A_54 = tpu.memref_slice %arg9[%dma_start3A_48, %dma_start3A_53] : memref<4x128xi32, #tpu.memory_space<vmem>> -> memref<1x128xi32, #tpu.memory_space<vmem>>
    %dma_start3A_55 = tpu.memref_squeeze %dma_start3A_54 : memref<1x128xi32, #tpu.memory_space<vmem>> -> memref<128xi32, #tpu.memory_space<vmem>>
    %dma_start3A_56 = tpu.memref_slice %arg2[%add3A_47] : memref<16384xi32, #tpu.memory_space<hbm>> -> memref<128xi32, #tpu.memory_space<hbm>>
    tpu.enqueue_dma source(%dma_start3A_56 : memref<128xi32, #tpu.memory_space<hbm>>) target(%dma_start3A_55 : memref<128xi32, #tpu.memory_space<vmem>>) target_semaphore(%arg16 : memref<!tpu.dma_semaphore, #tpu.memory_space<semaphore_mem>>)
    %add3A_57 = arith.constant 256 : i32
    %add3A_58 = arith.addi %mul3A_2, %add3A_57 : i32
    %dma_start3A_59 = arith.constant 2 : i32
    %dma_start3A_60 = arith.constant 0 : i32
    %dma_start3A_61 = tpu.memref_slice %arg10[%dma_start3A_59, %dma_start3A_60] : memref<4x128xi32, #tpu.memory_space<vmem>> -> memref<1x128xi32, #tpu.memory_space<vmem>>
    %dma_start3A_62 = tpu.memref_squeeze %dma_start3A_61 : memref<1x128xi32, #tpu.memory_space<vmem>> -> memref<128xi32, #tpu.memory_space<vmem>>
    %dma_start3A_63 = tpu.memref_slice %arg3[%add3A_58] : memref<16384xi32, #tpu.memory_space<hbm>> -> memref<128xi32, #tpu.memory_space<hbm>>
    %dma_start3A_64 = arith.constant 0 : i32
    %dma_start3A_65 = tpu.memref_slice %arg10[%dma_start3A_59, %dma_start3A_64] : memref<4x128xi32, #tpu.memory_space<vmem>> -> memref<1x128xi32, #tpu.memory_space<vmem>>
    %dma_start3A_66 = tpu.memref_squeeze %dma_start3A_65 : memref<1x128xi32, #tpu.memory_space<vmem>> -> memref<128xi32, #tpu.memory_space<vmem>>
    %dma_start3A_67 = tpu.memref_slice %arg3[%add3A_58] : memref<16384xi32, #tpu.memory_space<hbm>> -> memref<128xi32, #tpu.memory_space<hbm>>
    tpu.enqueue_dma source(%dma_start3A_67 : memref<128xi32, #tpu.memory_space<hbm>>) target(%dma_start3A_66 : memref<128xi32, #tpu.memory_space<vmem>>) target_semaphore(%arg16 : memref<!tpu.dma_semaphore, #tpu.memory_space<semaphore_mem>>)
    %add3A_68 = arith.constant 384 : i32
    %add3A_69 = arith.addi %mul3A_2, %add3A_68 : i32
    %dma_start3A_70 = arith.constant 3 : i32
    %dma_start3A_71 = arith.constant 0 : i32
    %dma_start3A_72 = tpu.memref_slice %arg9[%dma_start3A_70, %dma_start3A_71] : memref<4x128xi32, #tpu.memory_space<vmem>> -> memref<1x128xi32, #tpu.memory_space<vmem>>
    %dma_start3A_73 = tpu.memref_squeeze %dma_start3A_72 : memref<1x128xi32, #tpu.memory_space<vmem>> -> memref<128xi32, #tpu.memory_space<vmem>>
    %dma_start3A_74 = tpu.memref_slice %arg2[%add3A_69] : memref<16384xi32, #tpu.memory_space<hbm>> -> memref<128xi32, #tpu.memory_space<hbm>>
    %dma_start3A_75 = arith.constant 0 : i32
    %dma_start3A_76 = tpu.memref_slice %arg9[%dma_start3A_70, %dma_start3A_75] : memref<4x128xi32, #tpu.memory_space<vmem>> -> memref<1x128xi32, #tpu.memory_space<vmem>>
    %dma_start3A_77 = tpu.memref_squeeze %dma_start3A_76 : memref<1x128xi32, #tpu.memory_space<vmem>> -> memref<128xi32, #tpu.memory_space<vmem>>
    %dma_start3A_78 = tpu.memref_slice %arg2[%add3A_69] : memref<16384xi32, #tpu.memory_space<hbm>> -> memref<128xi32, #tpu.memory_space<hbm>>
    tpu.enqueue_dma source(%dma_start3A_78 : memref<128xi32, #tpu.memory_space<hbm>>) target(%dma_start3A_77 : memref<128xi32, #tpu.memory_space<vmem>>) target_semaphore(%arg16 : memref<!tpu.dma_semaphore, #tpu.memory_space<semaphore_mem>>)
    %add3A_79 = arith.constant 384 : i32
    %add3A_80 = arith.addi %mul3A_2, %add3A_79 : i32
    %dma_start3A_81 = arith.constant 3 : i32
    %dma_start3A_82 = arith.constant 0 : i32
    %dma_start3A_83 = tpu.memref_slice %arg10[%dma_start3A_81, %dma_start3A_82] : memref<4x128xi32, #tpu.memory_space<vmem>> -> memref<1x128xi32, #tpu.memory_space<vmem>>
    %dma_start3A_84 = tpu.memref_squeeze %dma_start3A_83 : memref<1x128xi32, #tpu.memory_space<vmem>> -> memref<128xi32, #tpu.memory_space<vmem>>
    %dma_start3A_85 = tpu.memref_slice %arg3[%add3A_80] : memref<16384xi32, #tpu.memory_space<hbm>> -> memref<128xi32, #tpu.memory_space<hbm>>
    %dma_start3A_86 = arith.constant 0 : i32
    %dma_start3A_87 = tpu.memref_slice %arg10[%dma_start3A_81, %dma_start3A_86] : memref<4x128xi32, #tpu.memory_space<vmem>> -> memref<1x128xi32, #tpu.memory_space<vmem>>
    %dma_start3A_88 = tpu.memref_squeeze %dma_start3A_87 : memref<1x128xi32, #tpu.memory_space<vmem>> -> memref<128xi32, #tpu.memory_space<vmem>>
    %dma_start3A_89 = tpu.memref_slice %arg3[%add3A_80] : memref<16384xi32, #tpu.memory_space<hbm>> -> memref<128xi32, #tpu.memory_space<hbm>>
    tpu.enqueue_dma source(%dma_start3A_89 : memref<128xi32, #tpu.memory_space<hbm>>) target(%dma_start3A_88 : memref<128xi32, #tpu.memory_space<vmem>>) target_semaphore(%arg16 : memref<!tpu.dma_semaphore, #tpu.memory_space<semaphore_mem>>)
    "tpu.region"() ({
      %run_scoped3A = tpu.sem_alloc : memref<!tpu.dma_semaphore, #tpu.memory_space<semaphore_mem>>
      tpu.enqueue_dma source(%arg6 : memref<32x16xf32, #tpu.memory_space<hbm>>) target(%arg13 : memref<32x16xf32, #tpu.memory_space<vmem>>) target_semaphore(%run_scoped3A : memref<!tpu.dma_semaphore, #tpu.memory_space<semaphore_mem>>)
      tpu.wait_dma2 semaphore(%run_scoped3A : memref<!tpu.dma_semaphore, #tpu.memory_space<semaphore_mem>>) src(%arg6 : memref<32x16xf32, #tpu.memory_space<hbm>>) dst(%arg13 : memref<32x16xf32, #tpu.memory_space<vmem>>)
      tpu.yield
    }) : () -> ()
    "tpu.region"() ({
      %run_scoped3A = tpu.sem_alloc : memref<!tpu.dma_semaphore, #tpu.memory_space<semaphore_mem>>
      tpu.enqueue_dma source(%arg7 : memref<16xf32, #tpu.memory_space<hbm>>) target(%arg14 : memref<16xf32, #tpu.memory_space<vmem>>) target_semaphore(%run_scoped3A : memref<!tpu.dma_semaphore, #tpu.memory_space<semaphore_mem>>)
      tpu.wait_dma2 semaphore(%run_scoped3A : memref<!tpu.dma_semaphore, #tpu.memory_space<semaphore_mem>>) src(%arg7 : memref<16xf32, #tpu.memory_space<hbm>>) dst(%arg14 : memref<16xf32, #tpu.memory_space<vmem>>)
      tpu.yield
    }) : () -> ()
    %dma_wait3A = arith.constant 0 : i32
    %dma_wait3A_90 = arith.constant 0 : i32
    %dma_wait3A_91 = tpu.memref_slice %arg9[%dma_wait3A, %dma_wait3A_90] : memref<4x128xi32, #tpu.memory_space<vmem>> -> memref<1x128xi32, #tpu.memory_space<vmem>>
    %dma_wait3A_92 = tpu.memref_squeeze %dma_wait3A_91 : memref<1x128xi32, #tpu.memory_space<vmem>> -> memref<128xi32, #tpu.memory_space<vmem>>
    %dma_wait3A_93 = tpu.memref_slice %arg2[%add3A_4] : memref<16384xi32, #tpu.memory_space<hbm>> -> memref<128xi32, #tpu.memory_space<hbm>>
    %dma_wait3A_94 = arith.constant 0 : i32
    %dma_wait3A_95 = tpu.memref_slice %arg9[%dma_wait3A, %dma_wait3A_94] : memref<4x128xi32, #tpu.memory_space<vmem>> -> memref<1x128xi32, #tpu.memory_space<vmem>>
    %dma_wait3A_96 = tpu.memref_squeeze %dma_wait3A_95 : memref<1x128xi32, #tpu.memory_space<vmem>> -> memref<128xi32, #tpu.memory_space<vmem>>
    %dma_wait3A_97 = tpu.memref_slice %arg2[%add3A_4] : memref<16384xi32, #tpu.memory_space<hbm>> -> memref<128xi32, #tpu.memory_space<hbm>>
    tpu.wait_dma2 semaphore(%arg16 : memref<!tpu.dma_semaphore, #tpu.memory_space<semaphore_mem>>) src(%dma_wait3A_97 : memref<128xi32, #tpu.memory_space<hbm>>) dst(%dma_wait3A_96 : memref<128xi32, #tpu.memory_space<vmem>>)
    %dma_wait3A_98 = arith.constant 0 : i32
    %dma_wait3A_99 = arith.constant 0 : i32
    %dma_wait3A_100 = tpu.memref_slice %arg10[%dma_wait3A_98, %dma_wait3A_99] : memref<4x128xi32, #tpu.memory_space<vmem>> -> memref<1x128xi32, #tpu.memory_space<vmem>>
    %dma_wait3A_101 = tpu.memref_squeeze %dma_wait3A_100 : memref<1x128xi32, #tpu.memory_space<vmem>> -> memref<128xi32, #tpu.memory_space<vmem>>
    %dma_wait3A_102 = tpu.memref_slice %arg3[%add3A_14] : memref<16384xi32, #tpu.memory_space<hbm>> -> memref<128xi32, #tpu.memory_space<hbm>>
    %dma_wait3A_103 = arith.constant 0 : i32
    %dma_wait3A_104 = tpu.memref_slice %arg10[%dma_wait3A_98, %dma_wait3A_103] : memref<4x128xi32, #tpu.memory_space<vmem>> -> memref<1x128xi32, #tpu.memory_space<vmem>>
    %dma_wait3A_105 = tpu.memref_squeeze %dma_wait3A_104 : memref<1x128xi32, #tpu.memory_space<vmem>> -> memref<128xi32, #tpu.memory_space<vmem>>
    %dma_wait3A_106 = tpu.memref_slice %arg3[%add3A_14] : memref<16384xi32, #tpu.memory_space<hbm>> -> memref<128xi32, #tpu.memory_space<hbm>>
    tpu.wait_dma2 semaphore(%arg16 : memref<!tpu.dma_semaphore, #tpu.memory_space<semaphore_mem>>) src(%dma_wait3A_106 : memref<128xi32, #tpu.memory_space<hbm>>) dst(%dma_wait3A_105 : memref<128xi32, #tpu.memory_space<vmem>>)
    %dma_wait3A_107 = arith.constant 1 : i32
    %dma_wait3A_108 = arith.constant 0 : i32
    %dma_wait3A_109 = tpu.memref_slice %arg9[%dma_wait3A_107, %dma_wait3A_108] : memref<4x128xi32, #tpu.memory_space<vmem>> -> memref<1x128xi32, #tpu.memory_space<vmem>>
    %dma_wait3A_110 = tpu.memref_squeeze %dma_wait3A_109 : memref<1x128xi32, #tpu.memory_space<vmem>> -> memref<128xi32, #tpu.memory_space<vmem>>
    %dma_wait3A_111 = tpu.memref_slice %arg2[%add3A_25] : memref<16384xi32, #tpu.memory_space<hbm>> -> memref<128xi32, #tpu.memory_space<hbm>>
    %dma_wait3A_112 = arith.constant 0 : i32
    %dma_wait3A_113 = tpu.memref_slice %arg9[%dma_wait3A_107, %dma_wait3A_112] : memref<4x128xi32, #tpu.memory_space<vmem>> -> memref<1x128xi32, #tpu.memory_space<vmem>>
    %dma_wait3A_114 = tpu.memref_squeeze %dma_wait3A_113 : memref<1x128xi32, #tpu.memory_space<vmem>> -> memref<128xi32, #tpu.memory_space<vmem>>
    %dma_wait3A_115 = tpu.memref_slice %arg2[%add3A_25] : memref<16384xi32, #tpu.memory_space<hbm>> -> memref<128xi32, #tpu.memory_space<hbm>>
    tpu.wait_dma2 semaphore(%arg16 : memref<!tpu.dma_semaphore, #tpu.memory_space<semaphore_mem>>) src(%dma_wait3A_115 : memref<128xi32, #tpu.memory_space<hbm>>) dst(%dma_wait3A_114 : memref<128xi32, #tpu.memory_space<vmem>>)
    %dma_wait3A_116 = arith.constant 1 : i32
    %dma_wait3A_117 = arith.constant 0 : i32
    %dma_wait3A_118 = tpu.memref_slice %arg10[%dma_wait3A_116, %dma_wait3A_117] : memref<4x128xi32, #tpu.memory_space<vmem>> -> memref<1x128xi32, #tpu.memory_space<vmem>>
    %dma_wait3A_119 = tpu.memref_squeeze %dma_wait3A_118 : memref<1x128xi32, #tpu.memory_space<vmem>> -> memref<128xi32, #tpu.memory_space<vmem>>
    %dma_wait3A_120 = tpu.memref_slice %arg3[%add3A_36] : memref<16384xi32, #tpu.memory_space<hbm>> -> memref<128xi32, #tpu.memory_space<hbm>>
    %dma_wait3A_121 = arith.constant 0 : i32
    %dma_wait3A_122 = tpu.memref_slice %arg10[%dma_wait3A_116, %dma_wait3A_121] : memref<4x128xi32, #tpu.memory_space<vmem>> -> memref<1x128xi32, #tpu.memory_space<vmem>>
    %dma_wait3A_123 = tpu.memref_squeeze %dma_wait3A_122 : memref<1x128xi32, #tpu.memory_space<vmem>> -> memref<128xi32, #tpu.memory_space<vmem>>
    %dma_wait3A_124 = tpu.memref_slice %arg3[%add3A_36] : memref<16384xi32, #tpu.memory_space<hbm>> -> memref<128xi32, #tpu.memory_space<hbm>>
    tpu.wait_dma2 semaphore(%arg16 : memref<!tpu.dma_semaphore, #tpu.memory_space<semaphore_mem>>) src(%dma_wait3A_124 : memref<128xi32, #tpu.memory_space<hbm>>) dst(%dma_wait3A_123 : memref<128xi32, #tpu.memory_space<vmem>>)
    %dma_wait3A_125 = arith.constant 2 : i32
    %dma_wait3A_126 = arith.constant 0 : i32
    %dma_wait3A_127 = tpu.memref_slice %arg9[%dma_wait3A_125, %dma_wait3A_126] : memref<4x128xi32, #tpu.memory_space<vmem>> -> memref<1x128xi32, #tpu.memory_space<vmem>>
    %dma_wait3A_128 = tpu.memref_squeeze %dma_wait3A_127 : memref<1x128xi32, #tpu.memory_space<vmem>> -> memref<128xi32, #tpu.memory_space<vmem>>
    %dma_wait3A_129 = tpu.memref_slice %arg2[%add3A_47] : memref<16384xi32, #tpu.memory_space<hbm>> -> memref<128xi32, #tpu.memory_space<hbm>>
    %dma_wait3A_130 = arith.constant 0 : i32
    %dma_wait3A_131 = tpu.memref_slice %arg9[%dma_wait3A_125, %dma_wait3A_130] : memref<4x128xi32, #tpu.memory_space<vmem>> -> memref<1x128xi32, #tpu.memory_space<vmem>>
    %dma_wait3A_132 = tpu.memref_squeeze %dma_wait3A_131 : memref<1x128xi32, #tpu.memory_space<vmem>> -> memref<128xi32, #tpu.memory_space<vmem>>
    %dma_wait3A_133 = tpu.memref_slice %arg2[%add3A_47] : memref<16384xi32, #tpu.memory_space<hbm>> -> memref<128xi32, #tpu.memory_space<hbm>>
    tpu.wait_dma2 semaphore(%arg16 : memref<!tpu.dma_semaphore, #tpu.memory_space<semaphore_mem>>) src(%dma_wait3A_133 : memref<128xi32, #tpu.memory_space<hbm>>) dst(%dma_wait3A_132 : memref<128xi32, #tpu.memory_space<vmem>>)
    %dma_wait3A_134 = arith.constant 2 : i32
    %dma_wait3A_135 = arith.constant 0 : i32
    %dma_wait3A_136 = tpu.memref_slice %arg10[%dma_wait3A_134, %dma_wait3A_135] : memref<4x128xi32, #tpu.memory_space<vmem>> -> memref<1x128xi32, #tpu.memory_space<vmem>>
    %dma_wait3A_137 = tpu.memref_squeeze %dma_wait3A_136 : memref<1x128xi32, #tpu.memory_space<vmem>> -> memref<128xi32, #tpu.memory_space<vmem>>
    %dma_wait3A_138 = tpu.memref_slice %arg3[%add3A_58] : memref<16384xi32, #tpu.memory_space<hbm>> -> memref<128xi32, #tpu.memory_space<hbm>>
    %dma_wait3A_139 = arith.constant 0 : i32
    %dma_wait3A_140 = tpu.memref_slice %arg10[%dma_wait3A_134, %dma_wait3A_139] : memref<4x128xi32, #tpu.memory_space<vmem>> -> memref<1x128xi32, #tpu.memory_space<vmem>>
    %dma_wait3A_141 = tpu.memref_squeeze %dma_wait3A_140 : memref<1x128xi32, #tpu.memory_space<vmem>> -> memref<128xi32, #tpu.memory_space<vmem>>
    %dma_wait3A_142 = tpu.memref_slice %arg3[%add3A_58] : memref<16384xi32, #tpu.memory_space<hbm>> -> memref<128xi32, #tpu.memory_space<hbm>>
    tpu.wait_dma2 semaphore(%arg16 : memref<!tpu.dma_semaphore, #tpu.memory_space<semaphore_mem>>) src(%dma_wait3A_142 : memref<128xi32, #tpu.memory_space<hbm>>) dst(%dma_wait3A_141 : memref<128xi32, #tpu.memory_space<vmem>>)
    %dma_wait3A_143 = arith.constant 3 : i32
    %dma_wait3A_144 = arith.constant 0 : i32
    %dma_wait3A_145 = tpu.memref_slice %arg9[%dma_wait3A_143, %dma_wait3A_144] : memref<4x128xi32, #tpu.memory_space<vmem>> -> memref<1x128xi32, #tpu.memory_space<vmem>>
    %dma_wait3A_146 = tpu.memref_squeeze %dma_wait3A_145 : memref<1x128xi32, #tpu.memory_space<vmem>> -> memref<128xi32, #tpu.memory_space<vmem>>
    %dma_wait3A_147 = tpu.memref_slice %arg2[%add3A_69] : memref<16384xi32, #tpu.memory_space<hbm>> -> memref<128xi32, #tpu.memory_space<hbm>>
    %dma_wait3A_148 = arith.constant 0 : i32
    %dma_wait3A_149 = tpu.memref_slice %arg9[%dma_wait3A_143, %dma_wait3A_148] : memref<4x128xi32, #tpu.memory_space<vmem>> -> memref<1x128xi32, #tpu.memory_space<vmem>>
    %dma_wait3A_150 = tpu.memref_squeeze %dma_wait3A_149 : memref<1x128xi32, #tpu.memory_space<vmem>> -> memref<128xi32, #tpu.memory_space<vmem>>
    %dma_wait3A_151 = tpu.memref_slice %arg2[%add3A_69] : memref<16384xi32, #tpu.memory_space<hbm>> -> memref<128xi32, #tpu.memory_space<hbm>>
    tpu.wait_dma2 semaphore(%arg16 : memref<!tpu.dma_semaphore, #tpu.memory_space<semaphore_mem>>) src(%dma_wait3A_151 : memref<128xi32, #tpu.memory_space<hbm>>) dst(%dma_wait3A_150 : memref<128xi32, #tpu.memory_space<vmem>>)
    %dma_wait3A_152 = arith.constant 3 : i32
    %dma_wait3A_153 = arith.constant 0 : i32
    %dma_wait3A_154 = tpu.memref_slice %arg10[%dma_wait3A_152, %dma_wait3A_153] : memref<4x128xi32, #tpu.memory_space<vmem>> -> memref<1x128xi32, #tpu.memory_space<vmem>>
    %dma_wait3A_155 = tpu.memref_squeeze %dma_wait3A_154 : memref<1x128xi32, #tpu.memory_space<vmem>> -> memref<128xi32, #tpu.memory_space<vmem>>
    %dma_wait3A_156 = tpu.memref_slice %arg3[%add3A_80] : memref<16384xi32, #tpu.memory_space<hbm>> -> memref<128xi32, #tpu.memory_space<hbm>>
    %dma_wait3A_157 = arith.constant 0 : i32
    %dma_wait3A_158 = tpu.memref_slice %arg10[%dma_wait3A_152, %dma_wait3A_157] : memref<4x128xi32, #tpu.memory_space<vmem>> -> memref<1x128xi32, #tpu.memory_space<vmem>>
    %dma_wait3A_159 = tpu.memref_squeeze %dma_wait3A_158 : memref<1x128xi32, #tpu.memory_space<vmem>> -> memref<128xi32, #tpu.memory_space<vmem>>
    %dma_wait3A_160 = tpu.memref_slice %arg3[%add3A_80] : memref<16384xi32, #tpu.memory_space<hbm>> -> memref<128xi32, #tpu.memory_space<hbm>>
    tpu.wait_dma2 semaphore(%arg16 : memref<!tpu.dma_semaphore, #tpu.memory_space<semaphore_mem>>) src(%dma_wait3A_160 : memref<128xi32, #tpu.memory_space<hbm>>) dst(%dma_wait3A_159 : memref<128xi32, #tpu.memory_space<vmem>>)
    %dma_start3A_161 = arith.constant 0 : i32
    %dma_start3A_162 = arith.constant 0 : i32
    %dma_start3A_163 = arith.constant 0 : i32
    %dma_start3A_164 = arith.constant 0 : i32
    %dma_start3A_165 = tpu.memref_slice %arg11[%dma_start3A_162, %dma_start3A_163, %dma_start3A_164] : memref<4x128x32xf32, #tpu.memory_space<vmem>> -> memref<1x128x32xf32, #tpu.memory_space<vmem>>
    %dma_start3A_166 = tpu.memref_squeeze %dma_start3A_165 : memref<1x128x32xf32, #tpu.memory_space<vmem>> -> memref<128x32xf32, #tpu.memory_space<vmem>>
    %dma_start3A_167 = arith.constant 0 : i32
    %dma_start3A_168 = tpu.memref_slice %arg9[%dma_start3A_161, %dma_start3A_167] : memref<4x128xi32, #tpu.memory_space<vmem>> -> memref<1x128xi32, #tpu.memory_space<vmem>>
    %dma_start3A_169 = tpu.memref_squeeze %dma_start3A_168 : memref<1x128xi32, #tpu.memory_space<vmem>> -> memref<128xi32, #tpu.memory_space<vmem>>
    %dma_start3A_170 = arith.constant 0 : i32
    %dma_start3A_171 = arith.constant 0 : i32
    %dma_start3A_172 = tpu.memref_slice %arg4[%dma_start3A_170, %dma_start3A_171] : memref<1000000x32xf32, #tpu.memory_space<hbm>> -> memref<1000000x32xf32, #tpu.memory_space<hbm>>
    tpu.enqueue_indirect_dma source(%dma_start3A_172 : memref<1000000x32xf32, #tpu.memory_space<hbm>>) target(%dma_start3A_166 : memref<128x32xf32, #tpu.memory_space<vmem>>) offsets(%dma_start3A_169 : memref<128xi32, #tpu.memory_space<vmem>>) semaphore(%arg16 : memref<!tpu.dma_semaphore, #tpu.memory_space<semaphore_mem>>)
    %dma_start3A_173 = arith.constant 0 : i32
    %dma_start3A_174 = arith.constant 0 : i32
    %dma_start3A_175 = arith.constant 0 : i32
    %dma_start3A_176 = arith.constant 0 : i32
    %dma_start3A_177 = tpu.memref_slice %arg12[%dma_start3A_174, %dma_start3A_175, %dma_start3A_176] : memref<4x128x32xf32, #tpu.memory_space<vmem>> -> memref<1x128x32xf32, #tpu.memory_space<vmem>>
    %dma_start3A_178 = tpu.memref_squeeze %dma_start3A_177 : memref<1x128x32xf32, #tpu.memory_space<vmem>> -> memref<128x32xf32, #tpu.memory_space<vmem>>
    %dma_start3A_179 = arith.constant 0 : i32
    %dma_start3A_180 = tpu.memref_slice %arg10[%dma_start3A_173, %dma_start3A_179] : memref<4x128xi32, #tpu.memory_space<vmem>> -> memref<1x128xi32, #tpu.memory_space<vmem>>
    %dma_start3A_181 = tpu.memref_squeeze %dma_start3A_180 : memref<1x128xi32, #tpu.memory_space<vmem>> -> memref<128xi32, #tpu.memory_space<vmem>>
    %dma_start3A_182 = arith.constant 0 : i32
    %dma_start3A_183 = arith.constant 0 : i32
    %dma_start3A_184 = tpu.memref_slice %arg5[%dma_start3A_182, %dma_start3A_183] : memref<1000000x32xf32, #tpu.memory_space<hbm>> -> memref<1000000x32xf32, #tpu.memory_space<hbm>>
    tpu.enqueue_indirect_dma source(%dma_start3A_184 : memref<1000000x32xf32, #tpu.memory_space<hbm>>) target(%dma_start3A_178 : memref<128x32xf32, #tpu.memory_space<vmem>>) offsets(%dma_start3A_181 : memref<128xi32, #tpu.memory_space<vmem>>) semaphore(%arg16 : memref<!tpu.dma_semaphore, #tpu.memory_space<semaphore_mem>>)
    %dma_start3A_185 = arith.constant 1 : i32
    %dma_start3A_186 = arith.constant 1 : i32
    %dma_start3A_187 = arith.constant 0 : i32
    %dma_start3A_188 = arith.constant 0 : i32
    %dma_start3A_189 = tpu.memref_slice %arg11[%dma_start3A_186, %dma_start3A_187, %dma_start3A_188] : memref<4x128x32xf32, #tpu.memory_space<vmem>> -> memref<1x128x32xf32, #tpu.memory_space<vmem>>
    %dma_start3A_190 = tpu.memref_squeeze %dma_start3A_189 : memref<1x128x32xf32, #tpu.memory_space<vmem>> -> memref<128x32xf32, #tpu.memory_space<vmem>>
    %dma_start3A_191 = arith.constant 0 : i32
    %dma_start3A_192 = tpu.memref_slice %arg9[%dma_start3A_185, %dma_start3A_191] : memref<4x128xi32, #tpu.memory_space<vmem>> -> memref<1x128xi32, #tpu.memory_space<vmem>>
    %dma_start3A_193 = tpu.memref_squeeze %dma_start3A_192 : memref<1x128xi32, #tpu.memory_space<vmem>> -> memref<128xi32, #tpu.memory_space<vmem>>
    %dma_start3A_194 = arith.constant 0 : i32
    %dma_start3A_195 = arith.constant 0 : i32
    %dma_start3A_196 = tpu.memref_slice %arg4[%dma_start3A_194, %dma_start3A_195] : memref<1000000x32xf32, #tpu.memory_space<hbm>> -> memref<1000000x32xf32, #tpu.memory_space<hbm>>
    tpu.enqueue_indirect_dma source(%dma_start3A_196 : memref<1000000x32xf32, #tpu.memory_space<hbm>>) target(%dma_start3A_190 : memref<128x32xf32, #tpu.memory_space<vmem>>) offsets(%dma_start3A_193 : memref<128xi32, #tpu.memory_space<vmem>>) semaphore(%arg16 : memref<!tpu.dma_semaphore, #tpu.memory_space<semaphore_mem>>)
    %dma_start3A_197 = arith.constant 1 : i32
    %dma_start3A_198 = arith.constant 1 : i32
    %dma_start3A_199 = arith.constant 0 : i32
    %dma_start3A_200 = arith.constant 0 : i32
    %dma_start3A_201 = tpu.memref_slice %arg12[%dma_start3A_198, %dma_start3A_199, %dma_start3A_200] : memref<4x128x32xf32, #tpu.memory_space<vmem>> -> memref<1x128x32xf32, #tpu.memory_space<vmem>>
    %dma_start3A_202 = tpu.memref_squeeze %dma_start3A_201 : memref<1x128x32xf32, #tpu.memory_space<vmem>> -> memref<128x32xf32, #tpu.memory_space<vmem>>
    %dma_start3A_203 = arith.constant 0 : i32
    %dma_start3A_204 = tpu.memref_slice %arg10[%dma_start3A_197, %dma_start3A_203] : memref<4x128xi32, #tpu.memory_space<vmem>> -> memref<1x128xi32, #tpu.memory_space<vmem>>
    %dma_start3A_205 = tpu.memref_squeeze %dma_start3A_204 : memref<1x128xi32, #tpu.memory_space<vmem>> -> memref<128xi32, #tpu.memory_space<vmem>>
    %dma_start3A_206 = arith.constant 0 : i32
    %dma_start3A_207 = arith.constant 0 : i32
    %dma_start3A_208 = tpu.memref_slice %arg5[%dma_start3A_206, %dma_start3A_207] : memref<1000000x32xf32, #tpu.memory_space<hbm>> -> memref<1000000x32xf32, #tpu.memory_space<hbm>>
    tpu.enqueue_indirect_dma source(%dma_start3A_208 : memref<1000000x32xf32, #tpu.memory_space<hbm>>) target(%dma_start3A_202 : memref<128x32xf32, #tpu.memory_space<vmem>>) offsets(%dma_start3A_205 : memref<128xi32, #tpu.memory_space<vmem>>) semaphore(%arg16 : memref<!tpu.dma_semaphore, #tpu.memory_space<semaphore_mem>>)
    %dma_start3A_209 = arith.constant 2 : i32
    %dma_start3A_210 = arith.constant 2 : i32
    %dma_start3A_211 = arith.constant 0 : i32
    %dma_start3A_212 = arith.constant 0 : i32
    %dma_start3A_213 = tpu.memref_slice %arg11[%dma_start3A_210, %dma_start3A_211, %dma_start3A_212] : memref<4x128x32xf32, #tpu.memory_space<vmem>> -> memref<1x128x32xf32, #tpu.memory_space<vmem>>
    %dma_start3A_214 = tpu.memref_squeeze %dma_start3A_213 : memref<1x128x32xf32, #tpu.memory_space<vmem>> -> memref<128x32xf32, #tpu.memory_space<vmem>>
    %dma_start3A_215 = arith.constant 0 : i32
    %dma_start3A_216 = tpu.memref_slice %arg9[%dma_start3A_209, %dma_start3A_215] : memref<4x128xi32, #tpu.memory_space<vmem>> -> memref<1x128xi32, #tpu.memory_space<vmem>>
    %dma_start3A_217 = tpu.memref_squeeze %dma_start3A_216 : memref<1x128xi32, #tpu.memory_space<vmem>> -> memref<128xi32, #tpu.memory_space<vmem>>
    %dma_start3A_218 = arith.constant 0 : i32
    %dma_start3A_219 = arith.constant 0 : i32
    %dma_start3A_220 = tpu.memref_slice %arg4[%dma_start3A_218, %dma_start3A_219] : memref<1000000x32xf32, #tpu.memory_space<hbm>> -> memref<1000000x32xf32, #tpu.memory_space<hbm>>
    tpu.enqueue_indirect_dma source(%dma_start3A_220 : memref<1000000x32xf32, #tpu.memory_space<hbm>>) target(%dma_start3A_214 : memref<128x32xf32, #tpu.memory_space<vmem>>) offsets(%dma_start3A_217 : memref<128xi32, #tpu.memory_space<vmem>>) semaphore(%arg16 : memref<!tpu.dma_semaphore, #tpu.memory_space<semaphore_mem>>)
    %dma_start3A_221 = arith.constant 2 : i32
    %dma_start3A_222 = arith.constant 2 : i32
    %dma_start3A_223 = arith.constant 0 : i32
    %dma_start3A_224 = arith.constant 0 : i32
    %dma_start3A_225 = tpu.memref_slice %arg12[%dma_start3A_222, %dma_start3A_223, %dma_start3A_224] : memref<4x128x32xf32, #tpu.memory_space<vmem>> -> memref<1x128x32xf32, #tpu.memory_space<vmem>>
    %dma_start3A_226 = tpu.memref_squeeze %dma_start3A_225 : memref<1x128x32xf32, #tpu.memory_space<vmem>> -> memref<128x32xf32, #tpu.memory_space<vmem>>
    %dma_start3A_227 = arith.constant 0 : i32
    %dma_start3A_228 = tpu.memref_slice %arg10[%dma_start3A_221, %dma_start3A_227] : memref<4x128xi32, #tpu.memory_space<vmem>> -> memref<1x128xi32, #tpu.memory_space<vmem>>
    %dma_start3A_229 = tpu.memref_squeeze %dma_start3A_228 : memref<1x128xi32, #tpu.memory_space<vmem>> -> memref<128xi32, #tpu.memory_space<vmem>>
    %dma_start3A_230 = arith.constant 0 : i32
    %dma_start3A_231 = arith.constant 0 : i32
    %dma_start3A_232 = tpu.memref_slice %arg5[%dma_start3A_230, %dma_start3A_231] : memref<1000000x32xf32, #tpu.memory_space<hbm>> -> memref<1000000x32xf32, #tpu.memory_space<hbm>>
    tpu.enqueue_indirect_dma source(%dma_start3A_232 : memref<1000000x32xf32, #tpu.memory_space<hbm>>) target(%dma_start3A_226 : memref<128x32xf32, #tpu.memory_space<vmem>>) offsets(%dma_start3A_229 : memref<128xi32, #tpu.memory_space<vmem>>) semaphore(%arg16 : memref<!tpu.dma_semaphore, #tpu.memory_space<semaphore_mem>>)
    %dma_start3A_233 = arith.constant 3 : i32
    %dma_start3A_234 = arith.constant 3 : i32
    %dma_start3A_235 = arith.constant 0 : i32
    %dma_start3A_236 = arith.constant 0 : i32
    %dma_start3A_237 = tpu.memref_slice %arg11[%dma_start3A_234, %dma_start3A_235, %dma_start3A_236] : memref<4x128x32xf32, #tpu.memory_space<vmem>> -> memref<1x128x32xf32, #tpu.memory_space<vmem>>
    %dma_start3A_238 = tpu.memref_squeeze %dma_start3A_237 : memref<1x128x32xf32, #tpu.memory_space<vmem>> -> memref<128x32xf32, #tpu.memory_space<vmem>>
    %dma_start3A_239 = arith.constant 0 : i32
    %dma_start3A_240 = tpu.memref_slice %arg9[%dma_start3A_233, %dma_start3A_239] : memref<4x128xi32, #tpu.memory_space<vmem>> -> memref<1x128xi32, #tpu.memory_space<vmem>>
    %dma_start3A_241 = tpu.memref_squeeze %dma_start3A_240 : memref<1x128xi32, #tpu.memory_space<vmem>> -> memref<128xi32, #tpu.memory_space<vmem>>
    %dma_start3A_242 = arith.constant 0 : i32
    %dma_start3A_243 = arith.constant 0 : i32
    %dma_start3A_244 = tpu.memref_slice %arg4[%dma_start3A_242, %dma_start3A_243] : memref<1000000x32xf32, #tpu.memory_space<hbm>> -> memref<1000000x32xf32, #tpu.memory_space<hbm>>
    tpu.enqueue_indirect_dma source(%dma_start3A_244 : memref<1000000x32xf32, #tpu.memory_space<hbm>>) target(%dma_start3A_238 : memref<128x32xf32, #tpu.memory_space<vmem>>) offsets(%dma_start3A_241 : memref<128xi32, #tpu.memory_space<vmem>>) semaphore(%arg16 : memref<!tpu.dma_semaphore, #tpu.memory_space<semaphore_mem>>)
    %dma_start3A_245 = arith.constant 3 : i32
    %dma_start3A_246 = arith.constant 3 : i32
    %dma_start3A_247 = arith.constant 0 : i32
    %dma_start3A_248 = arith.constant 0 : i32
    %dma_start3A_249 = tpu.memref_slice %arg12[%dma_start3A_246, %dma_start3A_247, %dma_start3A_248] : memref<4x128x32xf32, #tpu.memory_space<vmem>> -> memref<1x128x32xf32, #tpu.memory_space<vmem>>
    %dma_start3A_250 = tpu.memref_squeeze %dma_start3A_249 : memref<1x128x32xf32, #tpu.memory_space<vmem>> -> memref<128x32xf32, #tpu.memory_space<vmem>>
    %dma_start3A_251 = arith.constant 0 : i32
    %dma_start3A_252 = tpu.memref_slice %arg10[%dma_start3A_245, %dma_start3A_251] : memref<4x128xi32, #tpu.memory_space<vmem>> -> memref<1x128xi32, #tpu.memory_space<vmem>>
    %dma_start3A_253 = tpu.memref_squeeze %dma_start3A_252 : memref<1x128xi32, #tpu.memory_space<vmem>> -> memref<128xi32, #tpu.memory_space<vmem>>
    %dma_start3A_254 = arith.constant 0 : i32
    %dma_start3A_255 = arith.constant 0 : i32
    %dma_start3A_256 = tpu.memref_slice %arg5[%dma_start3A_254, %dma_start3A_255] : memref<1000000x32xf32, #tpu.memory_space<hbm>> -> memref<1000000x32xf32, #tpu.memory_space<hbm>>
    tpu.enqueue_indirect_dma source(%dma_start3A_256 : memref<1000000x32xf32, #tpu.memory_space<hbm>>) target(%dma_start3A_250 : memref<128x32xf32, #tpu.memory_space<vmem>>) offsets(%dma_start3A_253 : memref<128xi32, #tpu.memory_space<vmem>>) semaphore(%arg16 : memref<!tpu.dma_semaphore, #tpu.memory_space<semaphore_mem>>)
    %dma_wait3A_257 = arith.constant 0 : i32
    %dma_wait3A_258 = arith.constant 0 : i32
    %dma_wait3A_259 = arith.constant 0 : i32
    %dma_wait3A_260 = arith.constant 0 : i32
    %dma_wait3A_261 = tpu.memref_slice %arg11[%dma_wait3A_258, %dma_wait3A_259, %dma_wait3A_260] : memref<4x128x32xf32, #tpu.memory_space<vmem>> -> memref<1x128x32xf32, #tpu.memory_space<vmem>>
    %dma_wait3A_262 = tpu.memref_squeeze %dma_wait3A_261 : memref<1x128x32xf32, #tpu.memory_space<vmem>> -> memref<128x32xf32, #tpu.memory_space<vmem>>
    %dma_wait3A_263 = arith.constant 0 : i32
    %dma_wait3A_264 = tpu.memref_slice %arg9[%dma_wait3A_257, %dma_wait3A_263] : memref<4x128xi32, #tpu.memory_space<vmem>> -> memref<1x128xi32, #tpu.memory_space<vmem>>
    %dma_wait3A_265 = tpu.memref_squeeze %dma_wait3A_264 : memref<1x128xi32, #tpu.memory_space<vmem>> -> memref<128xi32, #tpu.memory_space<vmem>>
    %dma_wait3A_266 = arith.constant 0 : i32
    %dma_wait3A_267 = arith.constant 0 : i32
    %dma_wait3A_268 = tpu.memref_slice %arg4[%dma_wait3A_266, %dma_wait3A_267] : memref<1000000x32xf32, #tpu.memory_space<hbm>> -> memref<1000000x32xf32, #tpu.memory_space<hbm>>
    tpu.wait_indirect_dma semaphore(%arg16 : memref<!tpu.dma_semaphore, #tpu.memory_space<semaphore_mem>>) src(%dma_wait3A_268 : memref<1000000x32xf32, #tpu.memory_space<hbm>>) dst(%dma_wait3A_262 : memref<128x32xf32, #tpu.memory_space<vmem>>)
    %dma_wait3A_269 = arith.constant 0 : i32
    %dma_wait3A_270 = arith.constant 0 : i32
    %dma_wait3A_271 = arith.constant 0 : i32
    %dma_wait3A_272 = arith.constant 0 : i32
    %dma_wait3A_273 = tpu.memref_slice %arg12[%dma_wait3A_270, %dma_wait3A_271, %dma_wait3A_272] : memref<4x128x32xf32, #tpu.memory_space<vmem>> -> memref<1x128x32xf32, #tpu.memory_space<vmem>>
    %dma_wait3A_274 = tpu.memref_squeeze %dma_wait3A_273 : memref<1x128x32xf32, #tpu.memory_space<vmem>> -> memref<128x32xf32, #tpu.memory_space<vmem>>
    %dma_wait3A_275 = arith.constant 0 : i32
    %dma_wait3A_276 = tpu.memref_slice %arg10[%dma_wait3A_269, %dma_wait3A_275] : memref<4x128xi32, #tpu.memory_space<vmem>> -> memref<1x128xi32, #tpu.memory_space<vmem>>
    %dma_wait3A_277 = tpu.memref_squeeze %dma_wait3A_276 : memref<1x128xi32, #tpu.memory_space<vmem>> -> memref<128xi32, #tpu.memory_space<vmem>>
    %dma_wait3A_278 = arith.constant 0 : i32
    %dma_wait3A_279 = arith.constant 0 : i32
    %dma_wait3A_280 = tpu.memref_slice %arg5[%dma_wait3A_278, %dma_wait3A_279] : memref<1000000x32xf32, #tpu.memory_space<hbm>> -> memref<1000000x32xf32, #tpu.memory_space<hbm>>
    tpu.wait_indirect_dma semaphore(%arg16 : memref<!tpu.dma_semaphore, #tpu.memory_space<semaphore_mem>>) src(%dma_wait3A_280 : memref<1000000x32xf32, #tpu.memory_space<hbm>>) dst(%dma_wait3A_274 : memref<128x32xf32, #tpu.memory_space<vmem>>)
    %dma_wait3A_281 = arith.constant 1 : i32
    %dma_wait3A_282 = arith.constant 1 : i32
    %dma_wait3A_283 = arith.constant 0 : i32
    %dma_wait3A_284 = arith.constant 0 : i32
    %dma_wait3A_285 = tpu.memref_slice %arg11[%dma_wait3A_282, %dma_wait3A_283, %dma_wait3A_284] : memref<4x128x32xf32, #tpu.memory_space<vmem>> -> memref<1x128x32xf32, #tpu.memory_space<vmem>>
    %dma_wait3A_286 = tpu.memref_squeeze %dma_wait3A_285 : memref<1x128x32xf32, #tpu.memory_space<vmem>> -> memref<128x32xf32, #tpu.memory_space<vmem>>
    %dma_wait3A_287 = arith.constant 0 : i32
    %dma_wait3A_288 = tpu.memref_slice %arg9[%dma_wait3A_281, %dma_wait3A_287] : memref<4x128xi32, #tpu.memory_space<vmem>> -> memref<1x128xi32, #tpu.memory_space<vmem>>
    %dma_wait3A_289 = tpu.memref_squeeze %dma_wait3A_288 : memref<1x128xi32, #tpu.memory_space<vmem>> -> memref<128xi32, #tpu.memory_space<vmem>>
    %dma_wait3A_290 = arith.constant 0 : i32
    %dma_wait3A_291 = arith.constant 0 : i32
    %dma_wait3A_292 = tpu.memref_slice %arg4[%dma_wait3A_290, %dma_wait3A_291] : memref<1000000x32xf32, #tpu.memory_space<hbm>> -> memref<1000000x32xf32, #tpu.memory_space<hbm>>
    tpu.wait_indirect_dma semaphore(%arg16 : memref<!tpu.dma_semaphore, #tpu.memory_space<semaphore_mem>>) src(%dma_wait3A_292 : memref<1000000x32xf32, #tpu.memory_space<hbm>>) dst(%dma_wait3A_286 : memref<128x32xf32, #tpu.memory_space<vmem>>)
    %dma_wait3A_293 = arith.constant 1 : i32
    %dma_wait3A_294 = arith.constant 1 : i32
    %dma_wait3A_295 = arith.constant 0 : i32
    %dma_wait3A_296 = arith.constant 0 : i32
    %dma_wait3A_297 = tpu.memref_slice %arg12[%dma_wait3A_294, %dma_wait3A_295, %dma_wait3A_296] : memref<4x128x32xf32, #tpu.memory_space<vmem>> -> memref<1x128x32xf32, #tpu.memory_space<vmem>>
    %dma_wait3A_298 = tpu.memref_squeeze %dma_wait3A_297 : memref<1x128x32xf32, #tpu.memory_space<vmem>> -> memref<128x32xf32, #tpu.memory_space<vmem>>
    %dma_wait3A_299 = arith.constant 0 : i32
    %dma_wait3A_300 = tpu.memref_slice %arg10[%dma_wait3A_293, %dma_wait3A_299] : memref<4x128xi32, #tpu.memory_space<vmem>> -> memref<1x128xi32, #tpu.memory_space<vmem>>
    %dma_wait3A_301 = tpu.memref_squeeze %dma_wait3A_300 : memref<1x128xi32, #tpu.memory_space<vmem>> -> memref<128xi32, #tpu.memory_space<vmem>>
    %dma_wait3A_302 = arith.constant 0 : i32
    %dma_wait3A_303 = arith.constant 0 : i32
    %dma_wait3A_304 = tpu.memref_slice %arg5[%dma_wait3A_302, %dma_wait3A_303] : memref<1000000x32xf32, #tpu.memory_space<hbm>> -> memref<1000000x32xf32, #tpu.memory_space<hbm>>
    tpu.wait_indirect_dma semaphore(%arg16 : memref<!tpu.dma_semaphore, #tpu.memory_space<semaphore_mem>>) src(%dma_wait3A_304 : memref<1000000x32xf32, #tpu.memory_space<hbm>>) dst(%dma_wait3A_298 : memref<128x32xf32, #tpu.memory_space<vmem>>)
    %dma_wait3A_305 = arith.constant 2 : i32
    %dma_wait3A_306 = arith.constant 2 : i32
    %dma_wait3A_307 = arith.constant 0 : i32
    %dma_wait3A_308 = arith.constant 0 : i32
    %dma_wait3A_309 = tpu.memref_slice %arg11[%dma_wait3A_306, %dma_wait3A_307, %dma_wait3A_308] : memref<4x128x32xf32, #tpu.memory_space<vmem>> -> memref<1x128x32xf32, #tpu.memory_space<vmem>>
    %dma_wait3A_310 = tpu.memref_squeeze %dma_wait3A_309 : memref<1x128x32xf32, #tpu.memory_space<vmem>> -> memref<128x32xf32, #tpu.memory_space<vmem>>
    %dma_wait3A_311 = arith.constant 0 : i32
    %dma_wait3A_312 = tpu.memref_slice %arg9[%dma_wait3A_305, %dma_wait3A_311] : memref<4x128xi32, #tpu.memory_space<vmem>> -> memref<1x128xi32, #tpu.memory_space<vmem>>
    %dma_wait3A_313 = tpu.memref_squeeze %dma_wait3A_312 : memref<1x128xi32, #tpu.memory_space<vmem>> -> memref<128xi32, #tpu.memory_space<vmem>>
    %dma_wait3A_314 = arith.constant 0 : i32
    %dma_wait3A_315 = arith.constant 0 : i32
    %dma_wait3A_316 = tpu.memref_slice %arg4[%dma_wait3A_314, %dma_wait3A_315] : memref<1000000x32xf32, #tpu.memory_space<hbm>> -> memref<1000000x32xf32, #tpu.memory_space<hbm>>
    tpu.wait_indirect_dma semaphore(%arg16 : memref<!tpu.dma_semaphore, #tpu.memory_space<semaphore_mem>>) src(%dma_wait3A_316 : memref<1000000x32xf32, #tpu.memory_space<hbm>>) dst(%dma_wait3A_310 : memref<128x32xf32, #tpu.memory_space<vmem>>)
    %dma_wait3A_317 = arith.constant 2 : i32
    %dma_wait3A_318 = arith.constant 2 : i32
    %dma_wait3A_319 = arith.constant 0 : i32
    %dma_wait3A_320 = arith.constant 0 : i32
    %dma_wait3A_321 = tpu.memref_slice %arg12[%dma_wait3A_318, %dma_wait3A_319, %dma_wait3A_320] : memref<4x128x32xf32, #tpu.memory_space<vmem>> -> memref<1x128x32xf32, #tpu.memory_space<vmem>>
    %dma_wait3A_322 = tpu.memref_squeeze %dma_wait3A_321 : memref<1x128x32xf32, #tpu.memory_space<vmem>> -> memref<128x32xf32, #tpu.memory_space<vmem>>
    %dma_wait3A_323 = arith.constant 0 : i32
    %dma_wait3A_324 = tpu.memref_slice %arg10[%dma_wait3A_317, %dma_wait3A_323] : memref<4x128xi32, #tpu.memory_space<vmem>> -> memref<1x128xi32, #tpu.memory_space<vmem>>
    %dma_wait3A_325 = tpu.memref_squeeze %dma_wait3A_324 : memref<1x128xi32, #tpu.memory_space<vmem>> -> memref<128xi32, #tpu.memory_space<vmem>>
    %dma_wait3A_326 = arith.constant 0 : i32
    %dma_wait3A_327 = arith.constant 0 : i32
    %dma_wait3A_328 = tpu.memref_slice %arg5[%dma_wait3A_326, %dma_wait3A_327] : memref<1000000x32xf32, #tpu.memory_space<hbm>> -> memref<1000000x32xf32, #tpu.memory_space<hbm>>
    tpu.wait_indirect_dma semaphore(%arg16 : memref<!tpu.dma_semaphore, #tpu.memory_space<semaphore_mem>>) src(%dma_wait3A_328 : memref<1000000x32xf32, #tpu.memory_space<hbm>>) dst(%dma_wait3A_322 : memref<128x32xf32, #tpu.memory_space<vmem>>)
    %dma_wait3A_329 = arith.constant 3 : i32
    %dma_wait3A_330 = arith.constant 3 : i32
    %dma_wait3A_331 = arith.constant 0 : i32
    %dma_wait3A_332 = arith.constant 0 : i32
    %dma_wait3A_333 = tpu.memref_slice %arg11[%dma_wait3A_330, %dma_wait3A_331, %dma_wait3A_332] : memref<4x128x32xf32, #tpu.memory_space<vmem>> -> memref<1x128x32xf32, #tpu.memory_space<vmem>>
    %dma_wait3A_334 = tpu.memref_squeeze %dma_wait3A_333 : memref<1x128x32xf32, #tpu.memory_space<vmem>> -> memref<128x32xf32, #tpu.memory_space<vmem>>
    %dma_wait3A_335 = arith.constant 0 : i32
    %dma_wait3A_336 = tpu.memref_slice %arg9[%dma_wait3A_329, %dma_wait3A_335] : memref<4x128xi32, #tpu.memory_space<vmem>> -> memref<1x128xi32, #tpu.memory_space<vmem>>
    %dma_wait3A_337 = tpu.memref_squeeze %dma_wait3A_336 : memref<1x128xi32, #tpu.memory_space<vmem>> -> memref<128xi32, #tpu.memory_space<vmem>>
    %dma_wait3A_338 = arith.constant 0 : i32
    %dma_wait3A_339 = arith.constant 0 : i32
    %dma_wait3A_340 = tpu.memref_slice %arg4[%dma_wait3A_338, %dma_wait3A_339] : memref<1000000x32xf32, #tpu.memory_space<hbm>> -> memref<1000000x32xf32, #tpu.memory_space<hbm>>
    tpu.wait_indirect_dma semaphore(%arg16 : memref<!tpu.dma_semaphore, #tpu.memory_space<semaphore_mem>>) src(%dma_wait3A_340 : memref<1000000x32xf32, #tpu.memory_space<hbm>>) dst(%dma_wait3A_334 : memref<128x32xf32, #tpu.memory_space<vmem>>)
    %dma_wait3A_341 = arith.constant 3 : i32
    %dma_wait3A_342 = arith.constant 3 : i32
    %dma_wait3A_343 = arith.constant 0 : i32
    %dma_wait3A_344 = arith.constant 0 : i32
    %dma_wait3A_345 = tpu.memref_slice %arg12[%dma_wait3A_342, %dma_wait3A_343, %dma_wait3A_344] : memref<4x128x32xf32, #tpu.memory_space<vmem>> -> memref<1x128x32xf32, #tpu.memory_space<vmem>>
    %dma_wait3A_346 = tpu.memref_squeeze %dma_wait3A_345 : memref<1x128x32xf32, #tpu.memory_space<vmem>> -> memref<128x32xf32, #tpu.memory_space<vmem>>
    %dma_wait3A_347 = arith.constant 0 : i32
    %dma_wait3A_348 = tpu.memref_slice %arg10[%dma_wait3A_341, %dma_wait3A_347] : memref<4x128xi32, #tpu.memory_space<vmem>> -> memref<1x128xi32, #tpu.memory_space<vmem>>
    %dma_wait3A_349 = tpu.memref_squeeze %dma_wait3A_348 : memref<1x128xi32, #tpu.memory_space<vmem>> -> memref<128xi32, #tpu.memory_space<vmem>>
    %dma_wait3A_350 = arith.constant 0 : i32
    %dma_wait3A_351 = arith.constant 0 : i32
    %dma_wait3A_352 = tpu.memref_slice %arg5[%dma_wait3A_350, %dma_wait3A_351] : memref<1000000x32xf32, #tpu.memory_space<hbm>> -> memref<1000000x32xf32, #tpu.memory_space<hbm>>
    tpu.wait_indirect_dma semaphore(%arg16 : memref<!tpu.dma_semaphore, #tpu.memory_space<semaphore_mem>>) src(%dma_wait3A_352 : memref<1000000x32xf32, #tpu.memory_space<hbm>>) dst(%dma_wait3A_346 : memref<128x32xf32, #tpu.memory_space<vmem>>)
    %get3A = arith.constant 0 : i32
    %get3A_353 = arith.index_cast %get3A : i32 to index
    %get3A_354 = arith.constant 0 : index
    %get3A_355 = tpu.vector_load %arg13[%get3A_353, %get3A_354] {strides = array<i32>} : memref<32x16xf32, #tpu.memory_space<vmem>>, vector<16xf32>,
    %get3A_356 = arith.constant 1 : i32
    %get3A_357 = arith.index_cast %get3A_356 : i32 to index
    %get3A_358 = arith.constant 0 : index
    %get3A_359 = tpu.vector_load %arg13[%get3A_357, %get3A_358] {strides = array<i32>} : memref<32x16xf32, #tpu.memory_space<vmem>>, vector<16xf32>,
    %get3A_360 = arith.constant 2 : i32
    %get3A_361 = arith.index_cast %get3A_360 : i32 to index
    %get3A_362 = arith.constant 0 : index
    %get3A_363 = tpu.vector_load %arg13[%get3A_361, %get3A_362] {strides = array<i32>} : memref<32x16xf32, #tpu.memory_space<vmem>>, vector<16xf32>,
    %get3A_364 = arith.constant 3 : i32
    %get3A_365 = arith.index_cast %get3A_364 : i32 to index
    %get3A_366 = arith.constant 0 : index
    %get3A_367 = tpu.vector_load %arg13[%get3A_365, %get3A_366] {strides = array<i32>} : memref<32x16xf32, #tpu.memory_space<vmem>>, vector<16xf32>,
    %get3A_368 = arith.constant 4 : i32
    %get3A_369 = arith.index_cast %get3A_368 : i32 to index
    %get3A_370 = arith.constant 0 : index
    %get3A_371 = tpu.vector_load %arg13[%get3A_369, %get3A_370] {strides = array<i32>} : memref<32x16xf32, #tpu.memory_space<vmem>>, vector<16xf32>,
    %get3A_372 = arith.constant 5 : i32
    %get3A_373 = arith.index_cast %get3A_372 : i32 to index
    %get3A_374 = arith.constant 0 : index
    %get3A_375 = tpu.vector_load %arg13[%get3A_373, %get3A_374] {strides = array<i32>} : memref<32x16xf32, #tpu.memory_space<vmem>>, vector<16xf32>,
    %get3A_376 = arith.constant 6 : i32
    %get3A_377 = arith.index_cast %get3A_376 : i32 to index
    %get3A_378 = arith.constant 0 : index
    %get3A_379 = tpu.vector_load %arg13[%get3A_377, %get3A_378] {strides = array<i32>} : memref<32x16xf32, #tpu.memory_space<vmem>>, vector<16xf32>,
    %get3A_380 = arith.constant 7 : i32
    %get3A_381 = arith.index_cast %get3A_380 : i32 to index
    %get3A_382 = arith.constant 0 : index
    %get3A_383 = tpu.vector_load %arg13[%get3A_381, %get3A_382] {strides = array<i32>} : memref<32x16xf32, #tpu.memory_space<vmem>>, vector<16xf32>,
    %get3A_384 = arith.constant 8 : i32
    %get3A_385 = arith.index_cast %get3A_384 : i32 to index
    %get3A_386 = arith.constant 0 : index
    %get3A_387 = tpu.vector_load %arg13[%get3A_385, %get3A_386] {strides = array<i32>} : memref<32x16xf32, #tpu.memory_space<vmem>>, vector<16xf32>,
    %get3A_388 = arith.constant 9 : i32
    %get3A_389 = arith.index_cast %get3A_388 : i32 to index
    %get3A_390 = arith.constant 0 : index
    %get3A_391 = tpu.vector_load %arg13[%get3A_389, %get3A_390] {strides = array<i32>} : memref<32x16xf32, #tpu.memory_space<vmem>>, vector<16xf32>,
    %get3A_392 = arith.constant 10 : i32
    %get3A_393 = arith.index_cast %get3A_392 : i32 to index
    %get3A_394 = arith.constant 0 : index
    %get3A_395 = tpu.vector_load %arg13[%get3A_393, %get3A_394] {strides = array<i32>} : memref<32x16xf32, #tpu.memory_space<vmem>>, vector<16xf32>,
    %get3A_396 = arith.constant 11 : i32
    %get3A_397 = arith.index_cast %get3A_396 : i32 to index
    %get3A_398 = arith.constant 0 : index
    %get3A_399 = tpu.vector_load %arg13[%get3A_397, %get3A_398] {strides = array<i32>} : memref<32x16xf32, #tpu.memory_space<vmem>>, vector<16xf32>,
    %get3A_400 = arith.constant 12 : i32
    %get3A_401 = arith.index_cast %get3A_400 : i32 to index
    %get3A_402 = arith.constant 0 : index
    %get3A_403 = tpu.vector_load %arg13[%get3A_401, %get3A_402] {strides = array<i32>} : memref<32x16xf32, #tpu.memory_space<vmem>>, vector<16xf32>,
    %get3A_404 = arith.constant 13 : i32
    %get3A_405 = arith.index_cast %get3A_404 : i32 to index
    %get3A_406 = arith.constant 0 : index
    %get3A_407 = tpu.vector_load %arg13[%get3A_405, %get3A_406] {strides = array<i32>} : memref<32x16xf32, #tpu.memory_space<vmem>>, vector<16xf32>,
    %get3A_408 = arith.constant 14 : i32
    %get3A_409 = arith.index_cast %get3A_408 : i32 to index
    %get3A_410 = arith.constant 0 : index
    %get3A_411 = tpu.vector_load %arg13[%get3A_409, %get3A_410] {strides = array<i32>} : memref<32x16xf32, #tpu.memory_space<vmem>>, vector<16xf32>,
    %get3A_412 = arith.constant 15 : i32
    %get3A_413 = arith.index_cast %get3A_412 : i32 to index
    %get3A_414 = arith.constant 0 : index
    %get3A_415 = tpu.vector_load %arg13[%get3A_413, %get3A_414] {strides = array<i32>} : memref<32x16xf32, #tpu.memory_space<vmem>>, vector<16xf32>,
    %get3A_416 = arith.constant 16 : i32
    %get3A_417 = arith.index_cast %get3A_416 : i32 to index
    %get3A_418 = arith.constant 0 : index
    %get3A_419 = tpu.vector_load %arg13[%get3A_417, %get3A_418] {strides = array<i32>} : memref<32x16xf32, #tpu.memory_space<vmem>>, vector<16xf32>,
    %get3A_420 = arith.constant 17 : i32
    %get3A_421 = arith.index_cast %get3A_420 : i32 to index
    %get3A_422 = arith.constant 0 : index
    %get3A_423 = tpu.vector_load %arg13[%get3A_421, %get3A_422] {strides = array<i32>} : memref<32x16xf32, #tpu.memory_space<vmem>>, vector<16xf32>,
    %get3A_424 = arith.constant 18 : i32
    %get3A_425 = arith.index_cast %get3A_424 : i32 to index
    %get3A_426 = arith.constant 0 : index
    %get3A_427 = tpu.vector_load %arg13[%get3A_425, %get3A_426] {strides = array<i32>} : memref<32x16xf32, #tpu.memory_space<vmem>>, vector<16xf32>,
    %get3A_428 = arith.constant 19 : i32
    %get3A_429 = arith.index_cast %get3A_428 : i32 to index
    %get3A_430 = arith.constant 0 : index
    %get3A_431 = tpu.vector_load %arg13[%get3A_429, %get3A_430] {strides = array<i32>} : memref<32x16xf32, #tpu.memory_space<vmem>>, vector<16xf32>,
    %get3A_432 = arith.constant 20 : i32
    %get3A_433 = arith.index_cast %get3A_432 : i32 to index
    %get3A_434 = arith.constant 0 : index
    %get3A_435 = tpu.vector_load %arg13[%get3A_433, %get3A_434] {strides = array<i32>} : memref<32x16xf32, #tpu.memory_space<vmem>>, vector<16xf32>,
    %get3A_436 = arith.constant 21 : i32
    %get3A_437 = arith.index_cast %get3A_436 : i32 to index
    %get3A_438 = arith.constant 0 : index
    %get3A_439 = tpu.vector_load %arg13[%get3A_437, %get3A_438] {strides = array<i32>} : memref<32x16xf32, #tpu.memory_space<vmem>>, vector<16xf32>,
    %get3A_440 = arith.constant 22 : i32
    %get3A_441 = arith.index_cast %get3A_440 : i32 to index
    %get3A_442 = arith.constant 0 : index
    %get3A_443 = tpu.vector_load %arg13[%get3A_441, %get3A_442] {strides = array<i32>} : memref<32x16xf32, #tpu.memory_space<vmem>>, vector<16xf32>,
    %get3A_444 = arith.constant 23 : i32
    %get3A_445 = arith.index_cast %get3A_444 : i32 to index
    %get3A_446 = arith.constant 0 : index
    %get3A_447 = tpu.vector_load %arg13[%get3A_445, %get3A_446] {strides = array<i32>} : memref<32x16xf32, #tpu.memory_space<vmem>>, vector<16xf32>,
    %get3A_448 = arith.constant 24 : i32
    %get3A_449 = arith.index_cast %get3A_448 : i32 to index
    %get3A_450 = arith.constant 0 : index
    %get3A_451 = tpu.vector_load %arg13[%get3A_449, %get3A_450] {strides = array<i32>} : memref<32x16xf32, #tpu.memory_space<vmem>>, vector<16xf32>,
    %get3A_452 = arith.constant 25 : i32
    %get3A_453 = arith.index_cast %get3A_452 : i32 to index
    %get3A_454 = arith.constant 0 : index
    %get3A_455 = tpu.vector_load %arg13[%get3A_453, %get3A_454] {strides = array<i32>} : memref<32x16xf32, #tpu.memory_space<vmem>>, vector<16xf32>,
    %get3A_456 = arith.constant 26 : i32
    %get3A_457 = arith.index_cast %get3A_456 : i32 to index
    %get3A_458 = arith.constant 0 : index
    %get3A_459 = tpu.vector_load %arg13[%get3A_457, %get3A_458] {strides = array<i32>} : memref<32x16xf32, #tpu.memory_space<vmem>>, vector<16xf32>,
    %get3A_460 = arith.constant 27 : i32
    %get3A_461 = arith.index_cast %get3A_460 : i32 to index
    %get3A_462 = arith.constant 0 : index
    %get3A_463 = tpu.vector_load %arg13[%get3A_461, %get3A_462] {strides = array<i32>} : memref<32x16xf32, #tpu.memory_space<vmem>>, vector<16xf32>,
    %get3A_464 = arith.constant 28 : i32
    %get3A_465 = arith.index_cast %get3A_464 : i32 to index
    %get3A_466 = arith.constant 0 : index
    %get3A_467 = tpu.vector_load %arg13[%get3A_465, %get3A_466] {strides = array<i32>} : memref<32x16xf32, #tpu.memory_space<vmem>>, vector<16xf32>,
    %get3A_468 = arith.constant 29 : i32
    %get3A_469 = arith.index_cast %get3A_468 : i32 to index
    %get3A_470 = arith.constant 0 : index
    %get3A_471 = tpu.vector_load %arg13[%get3A_469, %get3A_470] {strides = array<i32>} : memref<32x16xf32, #tpu.memory_space<vmem>>, vector<16xf32>,
    %get3A_472 = arith.constant 30 : i32
    %get3A_473 = arith.index_cast %get3A_472 : i32 to index
    %get3A_474 = arith.constant 0 : index
    %get3A_475 = tpu.vector_load %arg13[%get3A_473, %get3A_474] {strides = array<i32>} : memref<32x16xf32, #tpu.memory_space<vmem>>, vector<16xf32>,
    %get3A_476 = arith.constant 31 : i32
    %get3A_477 = arith.index_cast %get3A_476 : i32 to index
    %get3A_478 = arith.constant 0 : index
    %get3A_479 = tpu.vector_load %arg13[%get3A_477, %get3A_478] {strides = array<i32>} : memref<32x16xf32, #tpu.memory_space<vmem>>, vector<16xf32>,
    %get3A_480 = arith.constant 0 : index
    %get3A_481 = tpu.vector_load %arg14[%get3A_480] {strides = array<i32>} : memref<16xf32, #tpu.memory_space<vmem>>, vector<16xf32>,
    %iota3A = tpu.iota {dimensions = array<i32: 0>} : vector<16xi32>
    %scan3A = arith.constant 0 : i32
    %scan3A_482 = arith.constant 0 : i32
    %scan3A_483 = arith.constant 32 : i32
    %scan3A_484 = arith.addi %scan3A_482, %scan3A_483 : i32
    %scan3A_485 = arith.constant 1 : i32
    scf.for %scan3A_487 = %scan3A_482 to %scan3A_484 step %scan3A_485  : i32 {
      %mul3A_488 = arith.constant 16 : i32
      %mul3A_489 = arith.muli %scan3A_487, %mul3A_488 : i32
      %add3A_490 = vector.broadcast %mul3A_489 : i32 to vector<16xi32>
      %add3A_491 = arith.addi %add3A_490, %iota3A : vector<16xi32>
      %shift_right_logical3A = arith.constant 7 : i32
      %shift_right_logical3A_492 = vector.broadcast %shift_right_logical3A : i32 to vector<16xi32>
      %shift_right_logical3A_493 = arith.shrui %add3A_491, %shift_right_logical3A_492 : vector<16xi32>
      %and3A = arith.constant 127 : i32
      %and3A_494 = vector.broadcast %and3A : i32 to vector<16xi32>
      %and3A_495 = arith.andi %add3A_491, %and3A_494 : vector<16xi32>
      %broadcast_in_dim3A = arith.constant 0.000000e+00 : f32
      %broadcast_in_dim3A_496 = vector.broadcast %broadcast_in_dim3A : f32 to vector<16xf32>
      %broadcast_in_dim3A_497 = arith.constant 0 : i32
      %broadcast_in_dim3A_498 = vector.broadcast %broadcast_in_dim3A_497 : i32 to vector<16xi32>
      %gather3A = tpu.vector_load_idx %arg11[%shift_right_logical3A_493, %and3A_495, %broadcast_in_dim3A_498] : memref<4x128x32xf32, #tpu.memory_space<vmem>>[vector<16xi32>, vector<16xi32>, vector<16xi32>], vector<16xf32>,
      %gather3A_499 = tpu.vector_load_idx %arg12[%shift_right_logical3A_493, %and3A_495, %broadcast_in_dim3A_498] : memref<4x128x32xf32, #tpu.memory_space<vmem>>[vector<16xi32>, vector<16xi32>, vector<16xi32>], vector<16xf32>,
      %mul3A_500 = arith.mulf %gather3A, %gather3A_499 : vector<16xf32>
      %mul3A_501 = arith.mulf %mul3A_500, %get3A_355 : vector<16xf32>
      %add3A_502 = arith.addf %broadcast_in_dim3A_496, %mul3A_501 : vector<16xf32>
      %broadcast_in_dim3A_503 = arith.constant 1 : i32
      %broadcast_in_dim3A_504 = vector.broadcast %broadcast_in_dim3A_503 : i32 to vector<16xi32>
      %gather3A_505 = tpu.vector_load_idx %arg11[%shift_right_logical3A_493, %and3A_495, %broadcast_in_dim3A_504] : memref<4x128x32xf32, #tpu.memory_space<vmem>>[vector<16xi32>, vector<16xi32>, vector<16xi32>], vector<16xf32>,
      %gather3A_506 = tpu.vector_load_idx %arg12[%shift_right_logical3A_493, %and3A_495, %broadcast_in_dim3A_504] : memref<4x128x32xf32, #tpu.memory_space<vmem>>[vector<16xi32>, vector<16xi32>, vector<16xi32>], vector<16xf32>,
      %mul3A_507 = arith.mulf %gather3A_505, %gather3A_506 : vector<16xf32>
      %mul3A_508 = arith.mulf %mul3A_507, %get3A_359 : vector<16xf32>
      %add3A_509 = arith.addf %add3A_502, %mul3A_508 : vector<16xf32>
      %broadcast_in_dim3A_510 = arith.constant 2 : i32
      %broadcast_in_dim3A_511 = vector.broadcast %broadcast_in_dim3A_510 : i32 to vector<16xi32>
      %gather3A_512 = tpu.vector_load_idx %arg11[%shift_right_logical3A_493, %and3A_495, %broadcast_in_dim3A_511] : memref<4x128x32xf32, #tpu.memory_space<vmem>>[vector<16xi32>, vector<16xi32>, vector<16xi32>], vector<16xf32>,
      %gather3A_513 = tpu.vector_load_idx %arg12[%shift_right_logical3A_493, %and3A_495, %broadcast_in_dim3A_511] : memref<4x128x32xf32, #tpu.memory_space<vmem>>[vector<16xi32>, vector<16xi32>, vector<16xi32>], vector<16xf32>,
      %mul3A_514 = arith.mulf %gather3A_512, %gather3A_513 : vector<16xf32>
      %mul3A_515 = arith.mulf %mul3A_514, %get3A_363 : vector<16xf32>
      %add3A_516 = arith.addf %add3A_509, %mul3A_515 : vector<16xf32>
      %broadcast_in_dim3A_517 = arith.constant 3 : i32
      %broadcast_in_dim3A_518 = vector.broadcast %broadcast_in_dim3A_517 : i32 to vector<16xi32>
      %gather3A_519 = tpu.vector_load_idx %arg11[%shift_right_logical3A_493, %and3A_495, %broadcast_in_dim3A_518] : memref<4x128x32xf32, #tpu.memory_space<vmem>>[vector<16xi32>, vector<16xi32>, vector<16xi32>], vector<16xf32>,
      %gather3A_520 = tpu.vector_load_idx %arg12[%shift_right_logical3A_493, %and3A_495, %broadcast_in_dim3A_518] : memref<4x128x32xf32, #tpu.memory_space<vmem>>[vector<16xi32>, vector<16xi32>, vector<16xi32>], vector<16xf32>,
      %mul3A_521 = arith.mulf %gather3A_519, %gather3A_520 : vector<16xf32>
      %mul3A_522 = arith.mulf %mul3A_521, %get3A_367 : vector<16xf32>
      %add3A_523 = arith.addf %add3A_516, %mul3A_522 : vector<16xf32>
      %broadcast_in_dim3A_524 = arith.constant 4 : i32
      %broadcast_in_dim3A_525 = vector.broadcast %broadcast_in_dim3A_524 : i32 to vector<16xi32>
      %gather3A_526 = tpu.vector_load_idx %arg11[%shift_right_logical3A_493, %and3A_495, %broadcast_in_dim3A_525] : memref<4x128x32xf32, #tpu.memory_space<vmem>>[vector<16xi32>, vector<16xi32>, vector<16xi32>], vector<16xf32>,
      %gather3A_527 = tpu.vector_load_idx %arg12[%shift_right_logical3A_493, %and3A_495, %broadcast_in_dim3A_525] : memref<4x128x32xf32, #tpu.memory_space<vmem>>[vector<16xi32>, vector<16xi32>, vector<16xi32>], vector<16xf32>,
      %mul3A_528 = arith.mulf %gather3A_526, %gather3A_527 : vector<16xf32>
      %mul3A_529 = arith.mulf %mul3A_528, %get3A_371 : vector<16xf32>
      %add3A_530 = arith.addf %add3A_523, %mul3A_529 : vector<16xf32>
      %broadcast_in_dim3A_531 = arith.constant 5 : i32
      %broadcast_in_dim3A_532 = vector.broadcast %broadcast_in_dim3A_531 : i32 to vector<16xi32>
      %gather3A_533 = tpu.vector_load_idx %arg11[%shift_right_logical3A_493, %and3A_495, %broadcast_in_dim3A_532] : memref<4x128x32xf32, #tpu.memory_space<vmem>>[vector<16xi32>, vector<16xi32>, vector<16xi32>], vector<16xf32>,
      %gather3A_534 = tpu.vector_load_idx %arg12[%shift_right_logical3A_493, %and3A_495, %broadcast_in_dim3A_532] : memref<4x128x32xf32, #tpu.memory_space<vmem>>[vector<16xi32>, vector<16xi32>, vector<16xi32>], vector<16xf32>,
      %mul3A_535 = arith.mulf %gather3A_533, %gather3A_534 : vector<16xf32>
      %mul3A_536 = arith.mulf %mul3A_535, %get3A_375 : vector<16xf32>
      %add3A_537 = arith.addf %add3A_530, %mul3A_536 : vector<16xf32>
      %broadcast_in_dim3A_538 = arith.constant 6 : i32
      %broadcast_in_dim3A_539 = vector.broadcast %broadcast_in_dim3A_538 : i32 to vector<16xi32>
      %gather3A_540 = tpu.vector_load_idx %arg11[%shift_right_logical3A_493, %and3A_495, %broadcast_in_dim3A_539] : memref<4x128x32xf32, #tpu.memory_space<vmem>>[vector<16xi32>, vector<16xi32>, vector<16xi32>], vector<16xf32>,
      %gather3A_541 = tpu.vector_load_idx %arg12[%shift_right_logical3A_493, %and3A_495, %broadcast_in_dim3A_539] : memref<4x128x32xf32, #tpu.memory_space<vmem>>[vector<16xi32>, vector<16xi32>, vector<16xi32>], vector<16xf32>,
      %mul3A_542 = arith.mulf %gather3A_540, %gather3A_541 : vector<16xf32>
      %mul3A_543 = arith.mulf %mul3A_542, %get3A_379 : vector<16xf32>
      %add3A_544 = arith.addf %add3A_537, %mul3A_543 : vector<16xf32>
      %broadcast_in_dim3A_545 = arith.constant 7 : i32
      %broadcast_in_dim3A_546 = vector.broadcast %broadcast_in_dim3A_545 : i32 to vector<16xi32>
      %gather3A_547 = tpu.vector_load_idx %arg11[%shift_right_logical3A_493, %and3A_495, %broadcast_in_dim3A_546] : memref<4x128x32xf32, #tpu.memory_space<vmem>>[vector<16xi32>, vector<16xi32>, vector<16xi32>], vector<16xf32>,
      %gather3A_548 = tpu.vector_load_idx %arg12[%shift_right_logical3A_493, %and3A_495, %broadcast_in_dim3A_546] : memref<4x128x32xf32, #tpu.memory_space<vmem>>[vector<16xi32>, vector<16xi32>, vector<16xi32>], vector<16xf32>,
      %mul3A_549 = arith.mulf %gather3A_547, %gather3A_548 : vector<16xf32>
      %mul3A_550 = arith.mulf %mul3A_549, %get3A_383 : vector<16xf32>
      %add3A_551 = arith.addf %add3A_544, %mul3A_550 : vector<16xf32>
      %broadcast_in_dim3A_552 = arith.constant 8 : i32
      %broadcast_in_dim3A_553 = vector.broadcast %broadcast_in_dim3A_552 : i32 to vector<16xi32>
      %gather3A_554 = tpu.vector_load_idx %arg11[%shift_right_logical3A_493, %and3A_495, %broadcast_in_dim3A_553] : memref<4x128x32xf32, #tpu.memory_space<vmem>>[vector<16xi32>, vector<16xi32>, vector<16xi32>], vector<16xf32>,
      %gather3A_555 = tpu.vector_load_idx %arg12[%shift_right_logical3A_493, %and3A_495, %broadcast_in_dim3A_553] : memref<4x128x32xf32, #tpu.memory_space<vmem>>[vector<16xi32>, vector<16xi32>, vector<16xi32>], vector<16xf32>,
      %mul3A_556 = arith.mulf %gather3A_554, %gather3A_555 : vector<16xf32>
      %mul3A_557 = arith.mulf %mul3A_556, %get3A_387 : vector<16xf32>
      %add3A_558 = arith.addf %add3A_551, %mul3A_557 : vector<16xf32>
      %broadcast_in_dim3A_559 = arith.constant 9 : i32
      %broadcast_in_dim3A_560 = vector.broadcast %broadcast_in_dim3A_559 : i32 to vector<16xi32>
      %gather3A_561 = tpu.vector_load_idx %arg11[%shift_right_logical3A_493, %and3A_495, %broadcast_in_dim3A_560] : memref<4x128x32xf32, #tpu.memory_space<vmem>>[vector<16xi32>, vector<16xi32>, vector<16xi32>], vector<16xf32>,
      %gather3A_562 = tpu.vector_load_idx %arg12[%shift_right_logical3A_493, %and3A_495, %broadcast_in_dim3A_560] : memref<4x128x32xf32, #tpu.memory_space<vmem>>[vector<16xi32>, vector<16xi32>, vector<16xi32>], vector<16xf32>,
      %mul3A_563 = arith.mulf %gather3A_561, %gather3A_562 : vector<16xf32>
      %mul3A_564 = arith.mulf %mul3A_563, %get3A_391 : vector<16xf32>
      %add3A_565 = arith.addf %add3A_558, %mul3A_564 : vector<16xf32>
      %broadcast_in_dim3A_566 = arith.constant 10 : i32
      %broadcast_in_dim3A_567 = vector.broadcast %broadcast_in_dim3A_566 : i32 to vector<16xi32>
      %gather3A_568 = tpu.vector_load_idx %arg11[%shift_right_logical3A_493, %and3A_495, %broadcast_in_dim3A_567] : memref<4x128x32xf32, #tpu.memory_space<vmem>>[vector<16xi32>, vector<16xi32>, vector<16xi32>], vector<16xf32>,
      %gather3A_569 = tpu.vector_load_idx %arg12[%shift_right_logical3A_493, %and3A_495, %broadcast_in_dim3A_567] : memref<4x128x32xf32, #tpu.memory_space<vmem>>[vector<16xi32>, vector<16xi32>, vector<16xi32>], vector<16xf32>,
      %mul3A_570 = arith.mulf %gather3A_568, %gather3A_569 : vector<16xf32>
      %mul3A_571 = arith.mulf %mul3A_570, %get3A_395 : vector<16xf32>
      %add3A_572 = arith.addf %add3A_565, %mul3A_571 : vector<16xf32>
      %broadcast_in_dim3A_573 = arith.constant 11 : i32
      %broadcast_in_dim3A_574 = vector.broadcast %broadcast_in_dim3A_573 : i32 to vector<16xi32>
      %gather3A_575 = tpu.vector_load_idx %arg11[%shift_right_logical3A_493, %and3A_495, %broadcast_in_dim3A_574] : memref<4x128x32xf32, #tpu.memory_space<vmem>>[vector<16xi32>, vector<16xi32>, vector<16xi32>], vector<16xf32>,
      %gather3A_576 = tpu.vector_load_idx %arg12[%shift_right_logical3A_493, %and3A_495, %broadcast_in_dim3A_574] : memref<4x128x32xf32, #tpu.memory_space<vmem>>[vector<16xi32>, vector<16xi32>, vector<16xi32>], vector<16xf32>,
      %mul3A_577 = arith.mulf %gather3A_575, %gather3A_576 : vector<16xf32>
      %mul3A_578 = arith.mulf %mul3A_577, %get3A_399 : vector<16xf32>
      %add3A_579 = arith.addf %add3A_572, %mul3A_578 : vector<16xf32>
      %broadcast_in_dim3A_580 = arith.constant 12 : i32
      %broadcast_in_dim3A_581 = vector.broadcast %broadcast_in_dim3A_580 : i32 to vector<16xi32>
      %gather3A_582 = tpu.vector_load_idx %arg11[%shift_right_logical3A_493, %and3A_495, %broadcast_in_dim3A_581] : memref<4x128x32xf32, #tpu.memory_space<vmem>>[vector<16xi32>, vector<16xi32>, vector<16xi32>], vector<16xf32>,
      %gather3A_583 = tpu.vector_load_idx %arg12[%shift_right_logical3A_493, %and3A_495, %broadcast_in_dim3A_581] : memref<4x128x32xf32, #tpu.memory_space<vmem>>[vector<16xi32>, vector<16xi32>, vector<16xi32>], vector<16xf32>,
      %mul3A_584 = arith.mulf %gather3A_582, %gather3A_583 : vector<16xf32>
      %mul3A_585 = arith.mulf %mul3A_584, %get3A_403 : vector<16xf32>
      %add3A_586 = arith.addf %add3A_579, %mul3A_585 : vector<16xf32>
      %broadcast_in_dim3A_587 = arith.constant 13 : i32
      %broadcast_in_dim3A_588 = vector.broadcast %broadcast_in_dim3A_587 : i32 to vector<16xi32>
      %gather3A_589 = tpu.vector_load_idx %arg11[%shift_right_logical3A_493, %and3A_495, %broadcast_in_dim3A_588] : memref<4x128x32xf32, #tpu.memory_space<vmem>>[vector<16xi32>, vector<16xi32>, vector<16xi32>], vector<16xf32>,
      %gather3A_590 = tpu.vector_load_idx %arg12[%shift_right_logical3A_493, %and3A_495, %broadcast_in_dim3A_588] : memref<4x128x32xf32, #tpu.memory_space<vmem>>[vector<16xi32>, vector<16xi32>, vector<16xi32>], vector<16xf32>,
      %mul3A_591 = arith.mulf %gather3A_589, %gather3A_590 : vector<16xf32>
      %mul3A_592 = arith.mulf %mul3A_591, %get3A_407 : vector<16xf32>
      %add3A_593 = arith.addf %add3A_586, %mul3A_592 : vector<16xf32>
      %broadcast_in_dim3A_594 = arith.constant 14 : i32
      %broadcast_in_dim3A_595 = vector.broadcast %broadcast_in_dim3A_594 : i32 to vector<16xi32>
      %gather3A_596 = tpu.vector_load_idx %arg11[%shift_right_logical3A_493, %and3A_495, %broadcast_in_dim3A_595] : memref<4x128x32xf32, #tpu.memory_space<vmem>>[vector<16xi32>, vector<16xi32>, vector<16xi32>], vector<16xf32>,
      %gather3A_597 = tpu.vector_load_idx %arg12[%shift_right_logical3A_493, %and3A_495, %broadcast_in_dim3A_595] : memref<4x128x32xf32, #tpu.memory_space<vmem>>[vector<16xi32>, vector<16xi32>, vector<16xi32>], vector<16xf32>,
      %mul3A_598 = arith.mulf %gather3A_596, %gather3A_597 : vector<16xf32>
      %mul3A_599 = arith.mulf %mul3A_598, %get3A_411 : vector<16xf32>
      %add3A_600 = arith.addf %add3A_593, %mul3A_599 : vector<16xf32>
      %broadcast_in_dim3A_601 = arith.constant 15 : i32
      %broadcast_in_dim3A_602 = vector.broadcast %broadcast_in_dim3A_601 : i32 to vector<16xi32>
      %gather3A_603 = tpu.vector_load_idx %arg11[%shift_right_logical3A_493, %and3A_495, %broadcast_in_dim3A_602] : memref<4x128x32xf32, #tpu.memory_space<vmem>>[vector<16xi32>, vector<16xi32>, vector<16xi32>], vector<16xf32>,
      %gather3A_604 = tpu.vector_load_idx %arg12[%shift_right_logical3A_493, %and3A_495, %broadcast_in_dim3A_602] : memref<4x128x32xf32, #tpu.memory_space<vmem>>[vector<16xi32>, vector<16xi32>, vector<16xi32>], vector<16xf32>,
      %mul3A_605 = arith.mulf %gather3A_603, %gather3A_604 : vector<16xf32>
      %mul3A_606 = arith.mulf %mul3A_605, %get3A_415 : vector<16xf32>
      %add3A_607 = arith.addf %add3A_600, %mul3A_606 : vector<16xf32>
      %broadcast_in_dim3A_608 = arith.constant 16 : i32
      %broadcast_in_dim3A_609 = vector.broadcast %broadcast_in_dim3A_608 : i32 to vector<16xi32>
      %gather3A_610 = tpu.vector_load_idx %arg11[%shift_right_logical3A_493, %and3A_495, %broadcast_in_dim3A_609] : memref<4x128x32xf32, #tpu.memory_space<vmem>>[vector<16xi32>, vector<16xi32>, vector<16xi32>], vector<16xf32>,
      %gather3A_611 = tpu.vector_load_idx %arg12[%shift_right_logical3A_493, %and3A_495, %broadcast_in_dim3A_609] : memref<4x128x32xf32, #tpu.memory_space<vmem>>[vector<16xi32>, vector<16xi32>, vector<16xi32>], vector<16xf32>,
      %mul3A_612 = arith.mulf %gather3A_610, %gather3A_611 : vector<16xf32>
      %mul3A_613 = arith.mulf %mul3A_612, %get3A_419 : vector<16xf32>
      %add3A_614 = arith.addf %add3A_607, %mul3A_613 : vector<16xf32>
      %broadcast_in_dim3A_615 = arith.constant 17 : i32
      %broadcast_in_dim3A_616 = vector.broadcast %broadcast_in_dim3A_615 : i32 to vector<16xi32>
      %gather3A_617 = tpu.vector_load_idx %arg11[%shift_right_logical3A_493, %and3A_495, %broadcast_in_dim3A_616] : memref<4x128x32xf32, #tpu.memory_space<vmem>>[vector<16xi32>, vector<16xi32>, vector<16xi32>], vector<16xf32>,
      %gather3A_618 = tpu.vector_load_idx %arg12[%shift_right_logical3A_493, %and3A_495, %broadcast_in_dim3A_616] : memref<4x128x32xf32, #tpu.memory_space<vmem>>[vector<16xi32>, vector<16xi32>, vector<16xi32>], vector<16xf32>,
      %mul3A_619 = arith.mulf %gather3A_617, %gather3A_618 : vector<16xf32>
      %mul3A_620 = arith.mulf %mul3A_619, %get3A_423 : vector<16xf32>
      %add3A_621 = arith.addf %add3A_614, %mul3A_620 : vector<16xf32>
      %broadcast_in_dim3A_622 = arith.constant 18 : i32
      %broadcast_in_dim3A_623 = vector.broadcast %broadcast_in_dim3A_622 : i32 to vector<16xi32>
      %gather3A_624 = tpu.vector_load_idx %arg11[%shift_right_logical3A_493, %and3A_495, %broadcast_in_dim3A_623] : memref<4x128x32xf32, #tpu.memory_space<vmem>>[vector<16xi32>, vector<16xi32>, vector<16xi32>], vector<16xf32>,
      %gather3A_625 = tpu.vector_load_idx %arg12[%shift_right_logical3A_493, %and3A_495, %broadcast_in_dim3A_623] : memref<4x128x32xf32, #tpu.memory_space<vmem>>[vector<16xi32>, vector<16xi32>, vector<16xi32>], vector<16xf32>,
      %mul3A_626 = arith.mulf %gather3A_624, %gather3A_625 : vector<16xf32>
      %mul3A_627 = arith.mulf %mul3A_626, %get3A_427 : vector<16xf32>
      %add3A_628 = arith.addf %add3A_621, %mul3A_627 : vector<16xf32>
      %broadcast_in_dim3A_629 = arith.constant 19 : i32
      %broadcast_in_dim3A_630 = vector.broadcast %broadcast_in_dim3A_629 : i32 to vector<16xi32>
      %gather3A_631 = tpu.vector_load_idx %arg11[%shift_right_logical3A_493, %and3A_495, %broadcast_in_dim3A_630] : memref<4x128x32xf32, #tpu.memory_space<vmem>>[vector<16xi32>, vector<16xi32>, vector<16xi32>], vector<16xf32>,
      %gather3A_632 = tpu.vector_load_idx %arg12[%shift_right_logical3A_493, %and3A_495, %broadcast_in_dim3A_630] : memref<4x128x32xf32, #tpu.memory_space<vmem>>[vector<16xi32>, vector<16xi32>, vector<16xi32>], vector<16xf32>,
      %mul3A_633 = arith.mulf %gather3A_631, %gather3A_632 : vector<16xf32>
      %mul3A_634 = arith.mulf %mul3A_633, %get3A_431 : vector<16xf32>
      %add3A_635 = arith.addf %add3A_628, %mul3A_634 : vector<16xf32>
      %broadcast_in_dim3A_636 = arith.constant 20 : i32
      %broadcast_in_dim3A_637 = vector.broadcast %broadcast_in_dim3A_636 : i32 to vector<16xi32>
      %gather3A_638 = tpu.vector_load_idx %arg11[%shift_right_logical3A_493, %and3A_495, %broadcast_in_dim3A_637] : memref<4x128x32xf32, #tpu.memory_space<vmem>>[vector<16xi32>, vector<16xi32>, vector<16xi32>], vector<16xf32>,
      %gather3A_639 = tpu.vector_load_idx %arg12[%shift_right_logical3A_493, %and3A_495, %broadcast_in_dim3A_637] : memref<4x128x32xf32, #tpu.memory_space<vmem>>[vector<16xi32>, vector<16xi32>, vector<16xi32>], vector<16xf32>,
      %mul3A_640 = arith.mulf %gather3A_638, %gather3A_639 : vector<16xf32>
      %mul3A_641 = arith.mulf %mul3A_640, %get3A_435 : vector<16xf32>
      %add3A_642 = arith.addf %add3A_635, %mul3A_641 : vector<16xf32>
      %broadcast_in_dim3A_643 = arith.constant 21 : i32
      %broadcast_in_dim3A_644 = vector.broadcast %broadcast_in_dim3A_643 : i32 to vector<16xi32>
      %gather3A_645 = tpu.vector_load_idx %arg11[%shift_right_logical3A_493, %and3A_495, %broadcast_in_dim3A_644] : memref<4x128x32xf32, #tpu.memory_space<vmem>>[vector<16xi32>, vector<16xi32>, vector<16xi32>], vector<16xf32>,
      %gather3A_646 = tpu.vector_load_idx %arg12[%shift_right_logical3A_493, %and3A_495, %broadcast_in_dim3A_644] : memref<4x128x32xf32, #tpu.memory_space<vmem>>[vector<16xi32>, vector<16xi32>, vector<16xi32>], vector<16xf32>,
      %mul3A_647 = arith.mulf %gather3A_645, %gather3A_646 : vector<16xf32>
      %mul3A_648 = arith.mulf %mul3A_647, %get3A_439 : vector<16xf32>
      %add3A_649 = arith.addf %add3A_642, %mul3A_648 : vector<16xf32>
      %broadcast_in_dim3A_650 = arith.constant 22 : i32
      %broadcast_in_dim3A_651 = vector.broadcast %broadcast_in_dim3A_650 : i32 to vector<16xi32>
      %gather3A_652 = tpu.vector_load_idx %arg11[%shift_right_logical3A_493, %and3A_495, %broadcast_in_dim3A_651] : memref<4x128x32xf32, #tpu.memory_space<vmem>>[vector<16xi32>, vector<16xi32>, vector<16xi32>], vector<16xf32>,
      %gather3A_653 = tpu.vector_load_idx %arg12[%shift_right_logical3A_493, %and3A_495, %broadcast_in_dim3A_651] : memref<4x128x32xf32, #tpu.memory_space<vmem>>[vector<16xi32>, vector<16xi32>, vector<16xi32>], vector<16xf32>,
      %mul3A_654 = arith.mulf %gather3A_652, %gather3A_653 : vector<16xf32>
      %mul3A_655 = arith.mulf %mul3A_654, %get3A_443 : vector<16xf32>
      %add3A_656 = arith.addf %add3A_649, %mul3A_655 : vector<16xf32>
      %broadcast_in_dim3A_657 = arith.constant 23 : i32
      %broadcast_in_dim3A_658 = vector.broadcast %broadcast_in_dim3A_657 : i32 to vector<16xi32>
      %gather3A_659 = tpu.vector_load_idx %arg11[%shift_right_logical3A_493, %and3A_495, %broadcast_in_dim3A_658] : memref<4x128x32xf32, #tpu.memory_space<vmem>>[vector<16xi32>, vector<16xi32>, vector<16xi32>], vector<16xf32>,
      %gather3A_660 = tpu.vector_load_idx %arg12[%shift_right_logical3A_493, %and3A_495, %broadcast_in_dim3A_658] : memref<4x128x32xf32, #tpu.memory_space<vmem>>[vector<16xi32>, vector<16xi32>, vector<16xi32>], vector<16xf32>,
      %mul3A_661 = arith.mulf %gather3A_659, %gather3A_660 : vector<16xf32>
      %mul3A_662 = arith.mulf %mul3A_661, %get3A_447 : vector<16xf32>
      %add3A_663 = arith.addf %add3A_656, %mul3A_662 : vector<16xf32>
      %broadcast_in_dim3A_664 = arith.constant 24 : i32
      %broadcast_in_dim3A_665 = vector.broadcast %broadcast_in_dim3A_664 : i32 to vector<16xi32>
      %gather3A_666 = tpu.vector_load_idx %arg11[%shift_right_logical3A_493, %and3A_495, %broadcast_in_dim3A_665] : memref<4x128x32xf32, #tpu.memory_space<vmem>>[vector<16xi32>, vector<16xi32>, vector<16xi32>], vector<16xf32>,
      %gather3A_667 = tpu.vector_load_idx %arg12[%shift_right_logical3A_493, %and3A_495, %broadcast_in_dim3A_665] : memref<4x128x32xf32, #tpu.memory_space<vmem>>[vector<16xi32>, vector<16xi32>, vector<16xi32>], vector<16xf32>,
      %mul3A_668 = arith.mulf %gather3A_666, %gather3A_667 : vector<16xf32>
      %mul3A_669 = arith.mulf %mul3A_668, %get3A_451 : vector<16xf32>
      %add3A_670 = arith.addf %add3A_663, %mul3A_669 : vector<16xf32>
      %broadcast_in_dim3A_671 = arith.constant 25 : i32
      %broadcast_in_dim3A_672 = vector.broadcast %broadcast_in_dim3A_671 : i32 to vector<16xi32>
      %gather3A_673 = tpu.vector_load_idx %arg11[%shift_right_logical3A_493, %and3A_495, %broadcast_in_dim3A_672] : memref<4x128x32xf32, #tpu.memory_space<vmem>>[vector<16xi32>, vector<16xi32>, vector<16xi32>], vector<16xf32>,
      %gather3A_674 = tpu.vector_load_idx %arg12[%shift_right_logical3A_493, %and3A_495, %broadcast_in_dim3A_672] : memref<4x128x32xf32, #tpu.memory_space<vmem>>[vector<16xi32>, vector<16xi32>, vector<16xi32>], vector<16xf32>,
      %mul3A_675 = arith.mulf %gather3A_673, %gather3A_674 : vector<16xf32>
      %mul3A_676 = arith.mulf %mul3A_675, %get3A_455 : vector<16xf32>
      %add3A_677 = arith.addf %add3A_670, %mul3A_676 : vector<16xf32>
      %broadcast_in_dim3A_678 = arith.constant 26 : i32
      %broadcast_in_dim3A_679 = vector.broadcast %broadcast_in_dim3A_678 : i32 to vector<16xi32>
      %gather3A_680 = tpu.vector_load_idx %arg11[%shift_right_logical3A_493, %and3A_495, %broadcast_in_dim3A_679] : memref<4x128x32xf32, #tpu.memory_space<vmem>>[vector<16xi32>, vector<16xi32>, vector<16xi32>], vector<16xf32>,
      %gather3A_681 = tpu.vector_load_idx %arg12[%shift_right_logical3A_493, %and3A_495, %broadcast_in_dim3A_679] : memref<4x128x32xf32, #tpu.memory_space<vmem>>[vector<16xi32>, vector<16xi32>, vector<16xi32>], vector<16xf32>,
      %mul3A_682 = arith.mulf %gather3A_680, %gather3A_681 : vector<16xf32>
      %mul3A_683 = arith.mulf %mul3A_682, %get3A_459 : vector<16xf32>
      %add3A_684 = arith.addf %add3A_677, %mul3A_683 : vector<16xf32>
      %broadcast_in_dim3A_685 = arith.constant 27 : i32
      %broadcast_in_dim3A_686 = vector.broadcast %broadcast_in_dim3A_685 : i32 to vector<16xi32>
      %gather3A_687 = tpu.vector_load_idx %arg11[%shift_right_logical3A_493, %and3A_495, %broadcast_in_dim3A_686] : memref<4x128x32xf32, #tpu.memory_space<vmem>>[vector<16xi32>, vector<16xi32>, vector<16xi32>], vector<16xf32>,
      %gather3A_688 = tpu.vector_load_idx %arg12[%shift_right_logical3A_493, %and3A_495, %broadcast_in_dim3A_686] : memref<4x128x32xf32, #tpu.memory_space<vmem>>[vector<16xi32>, vector<16xi32>, vector<16xi32>], vector<16xf32>,
      %mul3A_689 = arith.mulf %gather3A_687, %gather3A_688 : vector<16xf32>
      %mul3A_690 = arith.mulf %mul3A_689, %get3A_463 : vector<16xf32>
      %add3A_691 = arith.addf %add3A_684, %mul3A_690 : vector<16xf32>
      %broadcast_in_dim3A_692 = arith.constant 28 : i32
      %broadcast_in_dim3A_693 = vector.broadcast %broadcast_in_dim3A_692 : i32 to vector<16xi32>
      %gather3A_694 = tpu.vector_load_idx %arg11[%shift_right_logical3A_493, %and3A_495, %broadcast_in_dim3A_693] : memref<4x128x32xf32, #tpu.memory_space<vmem>>[vector<16xi32>, vector<16xi32>, vector<16xi32>], vector<16xf32>,
      %gather3A_695 = tpu.vector_load_idx %arg12[%shift_right_logical3A_493, %and3A_495, %broadcast_in_dim3A_693] : memref<4x128x32xf32, #tpu.memory_space<vmem>>[vector<16xi32>, vector<16xi32>, vector<16xi32>], vector<16xf32>,
      %mul3A_696 = arith.mulf %gather3A_694, %gather3A_695 : vector<16xf32>
      %mul3A_697 = arith.mulf %mul3A_696, %get3A_467 : vector<16xf32>
      %add3A_698 = arith.addf %add3A_691, %mul3A_697 : vector<16xf32>
      %broadcast_in_dim3A_699 = arith.constant 29 : i32
      %broadcast_in_dim3A_700 = vector.broadcast %broadcast_in_dim3A_699 : i32 to vector<16xi32>
      %gather3A_701 = tpu.vector_load_idx %arg11[%shift_right_logical3A_493, %and3A_495, %broadcast_in_dim3A_700] : memref<4x128x32xf32, #tpu.memory_space<vmem>>[vector<16xi32>, vector<16xi32>, vector<16xi32>], vector<16xf32>,
      %gather3A_702 = tpu.vector_load_idx %arg12[%shift_right_logical3A_493, %and3A_495, %broadcast_in_dim3A_700] : memref<4x128x32xf32, #tpu.memory_space<vmem>>[vector<16xi32>, vector<16xi32>, vector<16xi32>], vector<16xf32>,
      %mul3A_703 = arith.mulf %gather3A_701, %gather3A_702 : vector<16xf32>
      %mul3A_704 = arith.mulf %mul3A_703, %get3A_471 : vector<16xf32>
      %add3A_705 = arith.addf %add3A_698, %mul3A_704 : vector<16xf32>
      %broadcast_in_dim3A_706 = arith.constant 30 : i32
      %broadcast_in_dim3A_707 = vector.broadcast %broadcast_in_dim3A_706 : i32 to vector<16xi32>
      %gather3A_708 = tpu.vector_load_idx %arg11[%shift_right_logical3A_493, %and3A_495, %broadcast_in_dim3A_707] : memref<4x128x32xf32, #tpu.memory_space<vmem>>[vector<16xi32>, vector<16xi32>, vector<16xi32>], vector<16xf32>,
      %gather3A_709 = tpu.vector_load_idx %arg12[%shift_right_logical3A_493, %and3A_495, %broadcast_in_dim3A_707] : memref<4x128x32xf32, #tpu.memory_space<vmem>>[vector<16xi32>, vector<16xi32>, vector<16xi32>], vector<16xf32>,
      %mul3A_710 = arith.mulf %gather3A_708, %gather3A_709 : vector<16xf32>
      %mul3A_711 = arith.mulf %mul3A_710, %get3A_475 : vector<16xf32>
      %add3A_712 = arith.addf %add3A_705, %mul3A_711 : vector<16xf32>
      %broadcast_in_dim3A_713 = arith.constant 31 : i32
      %broadcast_in_dim3A_714 = vector.broadcast %broadcast_in_dim3A_713 : i32 to vector<16xi32>
      %gather3A_715 = tpu.vector_load_idx %arg11[%shift_right_logical3A_493, %and3A_495, %broadcast_in_dim3A_714] : memref<4x128x32xf32, #tpu.memory_space<vmem>>[vector<16xi32>, vector<16xi32>, vector<16xi32>], vector<16xf32>,
      %gather3A_716 = tpu.vector_load_idx %arg12[%shift_right_logical3A_493, %and3A_495, %broadcast_in_dim3A_714] : memref<4x128x32xf32, #tpu.memory_space<vmem>>[vector<16xi32>, vector<16xi32>, vector<16xi32>], vector<16xf32>,
      %mul3A_717 = arith.mulf %gather3A_715, %gather3A_716 : vector<16xf32>
      %mul3A_718 = arith.mulf %mul3A_717, %get3A_479 : vector<16xf32>
      %add3A_719 = arith.addf %add3A_712, %mul3A_718 : vector<16xf32>
      %add3A_720 = arith.addf %add3A_719, %get3A_481 : vector<16xf32>
      %neg3A = arith.constant 0.000000e+00 : f32
      %neg3A_721 = vector.broadcast %neg3A : f32 to vector<16xf32>
      %neg3A_722 = arith.subf %neg3A_721, %add3A_720 : vector<16xf32>
      %exp3A = math.exp %neg3A_722 : vector<16xf32>
      %add3A_723 = arith.constant 1.000000e+00 : f32
      %add3A_724 = vector.broadcast %add3A_723 : f32 to vector<16xf32>
      %add3A_725 = arith.addf %add3A_724, %exp3A : vector<16xf32>
      %div3A = arith.constant 1.000000e+00 : f32
      %div3A_726 = vector.broadcast %div3A : f32 to vector<16xf32>
      %div3A_727 = arith.divf %div3A_726, %add3A_725 : vector<16xf32>
      %mul3A_728 = arith.constant 16 : i32
      %mul3A_729 = arith.muli %scan3A_487, %mul3A_728 : i32
      %swap3A = arith.index_cast %mul3A_729 : i32 to index
      %swap3A_730 = tpu.vector_load %arg15[%swap3A] {strides = array<i32>} : memref<512xf32, #tpu.memory_space<vmem>>, vector<16xf32>,
      tpu.vector_store %arg15[%swap3A], %div3A_727 {strides = array<i32>} : memref<512xf32, #tpu.memory_space<vmem>>, vector<16xf32>,
    }
    %scan3A_486 = arith.constant 32 : i32
    "tpu.region"() ({
      %run_scoped3A = tpu.sem_alloc : memref<!tpu.dma_semaphore, #tpu.memory_space<semaphore_mem>>
      %dma_start3A_487 = tpu.memref_slice %arg8[%mul3A_2] : memref<16384xf32, #tpu.memory_space<hbm>> -> memref<512xf32, #tpu.memory_space<hbm>>
      %dma_start3A_488 = tpu.memref_slice %arg8[%mul3A_2] : memref<16384xf32, #tpu.memory_space<hbm>> -> memref<512xf32, #tpu.memory_space<hbm>>
      tpu.enqueue_dma source(%arg15 : memref<512xf32, #tpu.memory_space<vmem>>) target(%dma_start3A_488 : memref<512xf32, #tpu.memory_space<hbm>>) target_semaphore(%run_scoped3A : memref<!tpu.dma_semaphore, #tpu.memory_space<semaphore_mem>>)
      %dma_wait3A_489 = tpu.memref_slice %arg8[%mul3A_2] : memref<16384xf32, #tpu.memory_space<hbm>> -> memref<512xf32, #tpu.memory_space<hbm>>
      %dma_wait3A_490 = tpu.memref_slice %arg8[%mul3A_2] : memref<16384xf32, #tpu.memory_space<hbm>> -> memref<512xf32, #tpu.memory_space<hbm>>
      tpu.wait_dma2 semaphore(%run_scoped3A : memref<!tpu.dma_semaphore, #tpu.memory_space<semaphore_mem>>) src(%arg15 : memref<512xf32, #tpu.memory_space<vmem>>) dst(%dma_wait3A_490 : memref<512xf32, #tpu.memory_space<hbm>>)
      tpu.yield
    }) : () -> ()
    return
  }
}

</mosaic_0001>

<sc_bundles>
// kernel: _gmf.3.cloned.1.call-start
scs
__scs_entry_jumppad:
0x0: {  	(pc) =	sbr.rel $0x88, $3  }
0x1: {  	(tag) =	ssettag $0x0;
	lr =	simm.s32 $0x1  }
0x2: {  	[smem:$0x3F9B] =	sst lr;
	_ =	strace $0xD0000000  }
0x3: {  	_ = 	snop  }
0x4: {  	_ = 	snop  }
0x5: {  	_ = 	snop  }
0x6: {  	_ = 	snop  }
0x7: {  	_ = 	snop  }
__scs_overlays_trampoline_lowered:
0x8: {  	[smem:$0x3FAA] =	sst s0  }
0x9: {  	[smem:$0x3FAB] =	sst s1  }
0xa: {  	[smem:$0x3FAC] =	sst s2  }
0xb: {  	[smem:$0x3FAD] =	sst s3  }
0xc: {  	[smem:$0x3FAE] =	sst s4  }
0xd: {  	[smem:$0x3FAF] =	sst s5  }
0xe: {  	[smem:$0x3FB0] =	sst s6  }
0xf: {  	[smem:$0x3FB1] =	sst s7  }
0x10: {  	[smem:$0x3FB2] =	sst s8  }
0x11: {  	[smem:$0x3FB3] =	sst s9;
	s0 =	simm.s32 @!p0 $0x0  }
0x12: {  	s1 =	sld [smem:$0x3F99];
	s0 =	simm.s32 @p0 $0x1  }
0x13: {  	[smem:$0x3FB4] =	sst s0;
	s0 =	simm.s32 @!p1 $0x0  }
0x14: {  	s2 =	sld [smem:$0x3F98];
	s0 =	simm.s32 @p1 $0x1  }
0x15: {  	[smem:$0x3FB5] =	sst s0;
	s0 =	simm.s32 @!p2 $0x0  }
0x16: {  	s3 =	sld [smem:$0x3FDB];
	s0 =	simm.s32 @p2 $0x1  }
0x17: {  	s4 =	simm.s32 $0x1BF5;
	[smem:$0x3FB7] =	sst s0  }
0x18: {  	s0 =	sld [smem:$0x3F9A];
	_ =	swait.ge [sflag:s4], $0x0  }
0x19: {  	s7 =	sld [smem:$0x3F9B]  }
0x1a: {  	s8 =	sadd.s32 $0xFFFFE003, lr  }
0x1b: {  	s9 =	sadd.s32 $0xFFFFFEF7, lr;
	s5 =	simm.s32 $0xFFFFFFFF;
	p2 =	slt.u32 s8, $0xFFFFF086  }
0x1c: {  	p1 =	slt.u32 s9, $0xF7A;
	s5 =	simm.s32 @!p2 $0x0  }
0x1d: {  	s5 =	simm.s32 @p1 $0x1;
	p0 =	seq.s32 s7, s2  }
0x1e: {  	s7 =	smul.u32 @!p0 $0xF7A, s2;
	p2 =	seq.s32 @!p0 s5, $0x0  }
0x1f: {  	s9 =	smul.u32 $0xF7A, s1;
	s8 =	simm.s32 @!p0 $0x1BF5;
	p2 =	por !p2, p0  }
0x20: {  	[sflag:s8] =	ssyncset.s32 @!p0 $0xFFFFF086;
	s6 =	sadd.s32 @!p0 s3, s7;
	s7 =	simm.s32 @!p0 $0x108  }
0x21: {  	s3 =	sadd.s32 s3, s9;
	s6 =	sadd.s32 @!p0 $0x88, s6;
	s7 =	simm.s32 @p2 $0x1082  }
0x22: {  	[simem:s7], [sflag:s8] =	dma.local @!p0 [hbm:s6], $0xF7A  }
0x23: {  	s9 =	sor.u32 $0xD0000000, s2;
	s6 =	simm.s32 $0x108;
	_ =	swait.ge @!p0 [sflag:s8], $0x0  }
0x24: {  	s3 =	sadd.s32 $0x88, s3;
	s6 =	simm.s32 @!p1 $0x1082;
	[sflag:s4] =	ssyncset.s32 $0xFFFFF086  }
0x25: {  	[simem:s6], [sflag:s4] =	dma.local [hbm:s3], $0xF7A  }
0x26: {  	[smem:$0x3F9B] =	sst s1;
	(tag) =	ssettag s2;
	_ =	strace s9  }
0x27: {  	s1 =	sld [smem:$0x3FAB]  }
0x28: {  	s2 =	sld [smem:$0x3FAC]  }
0x29: {  	s4 =	sld [smem:$0x3FAE]  }
0x2a: {  	p0 =	seq.s32 s5, $0x0;
	s5 =	sld [smem:$0x3FAF]  }
0x2b: {  	s6 =	sld [smem:$0x3FB0]  }
0x2c: {  	s7 =	sld [smem:$0x3FB1]  }
0x2d: {  	s3 =	simm.s32 $0x108;
	s8 =	sld [smem:$0x3FB2]  }
0x2e: {  	s3 =	simm.s32 @!p0 $0x1082;
	s9 =	sld [smem:$0x3FB3]  }
0x2f: {  	lr =	sadd.s32 s0, s3;
	s0 =	sld [smem:$0x3FAA]  }
0x30: {  	s3 =	sld [smem:$0x3FAD]  }
0x31: {  	[smem:$0x3FB6] =	sst s10  }
0x32: {  	s10 =	sld [smem:$0x3FB4];
	_ =	sdelay $0x3  }
0x33: {  	p0 =	seq.s32 s10, $0x1;
	s10 =	sld [smem:$0x3FB6];
	_ =	sdelay $0x3  }
0x34: {  	[smem:$0x3FB6] =	sst s10  }
0x35: {  	s10 =	sld [smem:$0x3FB5];
	_ =	sdelay $0x3  }
0x36: {  	p1 =	seq.s32 s10, $0x1;
	s10 =	sld [smem:$0x3FB6];
	_ =	sdelay $0x3  }
0x37: {  	[smem:$0x3FB6] =	sst s10  }
0x38: {  	s10 =	sld [smem:$0x3FB7]  }
0x39: {  	_ = 	snop;
	(pc) =	sbr.ind lr, $3  }
0x3a: {  	_ = 	snop  }
0x3b: {  	_ = 	snop  }
0x3c: {  	p2 =	seq.s32 s10, $0x1;
	s10 =	sld [smem:$0x3FB6]  }
0x3d: {  	_ =	shalt  }
0x3e: {  	_ =	shalt  }
0x3f: {  	_ =	shalt  }
0x40: {  	_ =	shalt  }
0x41: {  	_ =	shalt  }
0x42: {  	_ =	shalt  }
0x43: {  	_ =	shalt  }
0x44: {  	_ =	shalt  }
0x45: {  	_ =	shalt  }
0x46: {  	_ =	shalt  }
0x47: {  	_ =	shalt  }
0x48: {  	_ =	shalt  }
0x49: {  	_ =	shalt  }
0x4a: {  	_ =	shalt  }
0x4b: {  	_ =	shalt  }
0x4c: {  	_ =	shalt  }
0x4d: {  	_ =	shalt  }
0x4e: {  	_ =	shalt  }
0x4f: {  	_ =	shalt  }
0x50: {  	_ =	shalt  }
0x51: {  	_ =	shalt  }
0x52: {  	_ =	shalt  }
0x53: {  	_ =	shalt  }
0x54: {  	_ =	shalt  }
0x55: {  	_ =	shalt  }
0x56: {  	_ =	shalt  }
0x57: {  	_ =	shalt  }
0x58: {  	_ =	shalt  }
0x59: {  	_ =	shalt  }
0x5a: {  	_ =	shalt  }
0x5b: {  	_ =	shalt  }
0x5c: {  	_ =	shalt  }
0x5d: {  	_ =	shalt  }
0x5e: {  	_ =	shalt  }
0x5f: {  	_ =	shalt  }
0x60: {  	_ =	shalt  }
0x61: {  	_ =	shalt  }
0x62: {  	_ =	shalt  }
0x63: {  	_ =	shalt  }
0x64: {  	_ =	shalt  }
0x65: {  	_ =	shalt  }
0x66: {  	_ =	shalt  }
0x67: {  	_ =	shalt  }
0x68: {  	_ =	shalt  }
0x69: {  	_ =	shalt  }
0x6a: {  	_ =	shalt  }
0x6b: {  	_ =	shalt  }
0x6c: {  	_ =	shalt  }
0x6d: {  	_ =	shalt  }
0x6e: {  	_ =	shalt  }
0x6f: {  	_ =	shalt  }
0x70: {  	_ =	shalt  }
0x71: {  	_ =	shalt  }
0x72: {  	_ =	shalt  }
0x73: {  	_ =	shalt  }
0x74: {  	_ =	shalt  }
0x75: {  	_ =	shalt  }
0x76: {  	_ =	shalt  }
0x77: {  	_ =	shalt  }
0x78: {  	_ =	shalt  }
0x79: {  	_ =	shalt  }
0x7a: {  	_ =	shalt  }
0x7b: {  	_ =	shalt  }
0x7c: {  	_ =	shalt  }
0x7d: {  	_ =	shalt  }
0x7e: {  	_ =	shalt  }
0x7f: {  	_ =	shalt  }
0x80: {  	_ =	shalt  }
0x81: {  	_ =	shalt  }
0x82: {  	_ =	shalt  }
0x83: {  	_ =	shalt  }
0x84: {  	_ =	shalt  }
0x85: {  	_ =	shalt  }
0x86: {  	_ =	shalt  }
0x87: {  	_ =	shalt  }
.Lfunc_end0:
.L_simem_size_0:
called_computation_lowered:
.L_overlay_start_0:
0x88: {  	s2 =	sld [smem:$0x3FD9]  }
0x89: {  	s3 =	sld [smem:$0x3FFE];
	_ =	sdelay $0x1  }
0x8a: {  	s1 =	srdreg.scid  }
0x8b: {  	s0 =	sand.u32 $0x1, s1  }
0x8c: {  	s17 =	sshll.u32 s0, $0xA;
	s2 =	sadd.s32 s3, s2  }
0x8d: {  	s2 =	sadd.s32 s2, s17  }
0x8e: {  	[smem:$0x3FC2] =	sst s2  }
0x8f: {  	_ = 	snop  }
0x90: {  	s2 =	sld [smem:$0x3FC9]  }
0x91: {  	s18 =	sld [smem:$0x3FC8]  }
0x92: {  	s4 =	sld [smem:$0x3FD0];
	(tm) =	ssettm $0x1  }
0x93: {  	s5 =	sld [smem:$0x3FFB];
	_ =	sdelay $0x3  }
0x94: {  	_ =	strace s5  }
0x95: {  	s5 =	sld [smem:$0x3FFC];
	_ =	sdelay $0x3  }
0x96: {  	_ =	strace s5  }
0x97: {  	s5 =	sld [smem:$0x3FFD];
	_ =	sdelay $0x3  }
0x98: {  	_ =	strace s5  }
0x99: {  	_ =	strace $0x8FFFFFFF  }
0x9a: {  	s19 =	sld [smem:$0x3FDB];
	_ =	sdelay $0x1  }
0x9b: {  	s6 =	simm.s32 $_scs_section_size  }
0x9c: {  	s7 =	simm.s32 $_size__tile_overlayer_lowered;
	s8 =	simm.s32 $_tile_overlayer_lowered  }
0x9d: {  	s22 =	simm.s32 $0x1BFF;
	s21 =	sshll.u32 s8, $0x1;
	s5 =	sadd.s32 s6, s19  }
0x9e: {  	s9 =	simm.s32 $0x0;
	s20 =	sshll.u32 s7, $0x1;
	s7 =	sadd.s32 s21, s5  }
0x9f: {  	[timem:s9], [sflag:s22] =	dma.local [hbm:s7], s20  }
0xa0: {  	_ =	swait.ge [sflag:s22], s20  }
0xa1: {  	s6 =	ssub.s32 $0x0, s20;
	[sflag:s22] =	ssyncset.done $0x0  }
0xa2: {  	[sflag:s22] =	ssyncadd.s32 s6;
	_ =	sdelay $0x1  }
0xa3: {  	s23 =	simm.s32 $0x1B8B  }
0xa4: {  	_ =	swait.ge [sflag:s23], $0x1  }
0xa5: {  	[sflag:s23] =	ssyncset.done $0x0  }
0xa6: {  	s25 =	simm.s32 $0x1B8E;
	s24 =	sld [smem:$0x3FFE];
	[sflag:s23] =	ssyncadd.s32 $0xFFFFFFFF  }
0xa7: {  	s26 =	simm.s32 $execute0_lowered;
	[smem:$0x3FD2] =	sst s25  }
0xa8: {  	s7 =	sshll.u32 s26, $0x1;
	_ =	strace $0x80000046;
	[dreg:$0x1] =	wrdreg $0xFFFFFFFF  }
0xa9: {  	s28 =	simm.s32 $_size_execute0_lowered;
	s5 =	sadd.s32 s5, s7;
	[dreg:$0x0] =	wrdreg $0x0  }
0xaa: {  	s7 =	sshll.u32 s28, $0x1;
	[dreg:$0x2] =	wrdreg s5  }
0xab: {  	[dreg:$0x3] =	wrdreg s7  }
0xac: {  	[dreg:$0x4] =	wrdreg $0xC0  }
0xad: {  	_ =	task [dreg:s9], $0x5FFFF  }
0xae: {  	[dreg:$0x1] =	wrdreg $0xFFFFFFFF  }
0xaf: {  	[dreg:$0x0] =	wrdreg $0x60  }
0xb0: {  	[dreg:$0x2] =	wrdreg s2  }
0xb1: {  	[dreg:$0x3] =	wrdreg s18  }
0xb2: {  	[dreg:$0x4] =	wrdreg s24  }
0xb3: {  	[dreg:$0x5] =	wrdreg s4  }
0xb4: {  	[dreg:$0x6] =	wrdreg $0x9  }
0xb5: {  	_ =	task.clear_ibuf [dreg:s9], $0x7FFFF;
	_ =	strace $0x90000046  }
0xb6: {  	s29 =	simm.s32 $0x9;
	_ =	strace $0x80000048  }
0xb7: {  	_ =	swait.ge [sflag:s29], $0x1  }
0xb8: {  	[sflag:s29] =	ssyncadd.s32 $0xFFFFFFFF  }
0xb9: {  	_ =	strace $0x90000048  }
0xba: {  	_ =	sfence  }
0xbb: {  	s30 =	sld [smem:$0x0];
	_ =	sdelay $0x2  }
0xbc: {  	s31 =	sshll.u32 s1, $0xD;
	s1 =	sshrl.u32 s1, $0x2  }
0xbd: {  	s3 =	sand.u32 $0x4000, s31;
	s1 =	sadd.s32 s1, s30  }
0xbe: {  	s0 =	sor.u32 s3, s0;
	s1 =	sshll.u32 s1, $0x11  }
0xbf: {  	s0 =	sor.u32 s1, s0  }
0xc0: {  	s0 =	sadd.s32 $0x8F2B, s0  }
0xc1: {  	[sflag:s0] =	ssyncadd.remote.s32 $0x1  }
0xc2: {  	_ =	sfence.sel $0xFFFF  }
0xc3: {  	[dreg:$0x0] =	wrdreg $0xFFFFFFFF;
	(pc) =	sbr.abs _section_cstart, $3  }
0xc4: {  	[dreg:$0x1] =	wrdreg $0xFFFFFFFF  }
0xc5: {  	_ =	task.clear_ibuf [dreg:s9], $0x2FFFF;
	_ =	strace $0x9FFFFFFF  }
0xc6: {  	(tm) =	ssettm $0x7FFFFFFF  }
0xc7: {  	_ =	shalt  }
tec
execute0_lowered:
.L_overlay_start_1:
0x0: {  	(tag) =	ssettag $0x1  }
0x1: {  	s0 =	rddreg [dreg:$0x0]  }
0x2: {  	s2 =	rddreg [dreg:$0x1]  }
0x3: {  	s6 =	rddreg [dreg:$0x2]  }
0x4: {  	s15 =	rddreg [dreg:$0x3];
	s1 =	simm.s32 $0x0  }
0x5: {  	s5 =	srdreg.scid;
	s8 =	stileid.u32;
	s18 =	simm.s32 $0x80  }
0x6: {  	s19 =	simm.s32 $0x280;
	s20 =	simm.s32 $0x100;
	s21 =	simm.s32 $0x300  }
0x7: {  	s22 =	simm.s32 $0x180;
	s23 =	simm.s32 $0x380;
	s25 =	simm.s32 $0x2  }
0x8: {  	s28 =	simm.s32 $0x1;
	s29 =	simm.s32 $0x400;
	s30 =	simm.s32 $0x4400  }
0x9: {  	s31 =	simm.s32 $0x7400;
	[smem:$0x7FF] =	sst s1;
	s3 =	sadd.s32 $0x1313400, s6  }
0xa: {  	s4 =	sadd.s32 $0xF42A00, s6;
	s5 =	sand.u32 $0x1, s5;
	s8 =	sshll.u32 s8, $0x7  }
0xb: {  	_ =	strace $0x80000047;
	s7 =	ssub.s32 $0x2, s5;
	s9 =	sshll.u32 s5, $0x6  }
0xc: {  	s5 =	sadd.s32 $0x600, s6;
	s10 =	sshrl.u32 s7, $0x1;
	s16 =	sor.u32 s9, s8  }
0xd: {  	s6 =	sadd.s32 $0x800, s6;
	s17 =	ssub.s32 s7, s10;
	s26 =	sor.u32 $0x10, s16  }
0xe: {  	s7 =	sadd.s32 s0, s16;
	s8 =	sadd.s32 s2, s16;
	s12 =	sor.u32 $0x20, s16  }
0xf: {  	s14 =	sor.u32 $0x30, s16;
	s15 =	sadd.s32 s15, s16;
	s9 =	sadd.s32 s0, s26  }
0x10: {  	v0 =	vlaneseq.u32;
	s10 =	sadd.s32 s2, s26;
	s11 =	sadd.s32 s0, s12;
	s12 =	sadd.s32 s2, s12  }
0x11: {  	v0 =	vmul.u32 $0x20, v0;
	s13 =	sadd.s32 s0, s14;
	s14 =	sadd.s32 s2, s14;
	s16 =	smax.u32 s17, $0x1  }
0x12: {  	s17 =	simm.s32 $0x200;
	s0 =	simm.s32 $0x8610;
	s2 =	simm.s32 $0x0  }
.LBB2_1:
0x13: {  	[tilespmem:s1], [sflag:$0x1] =	stream.linear.gather [hbm4b:s7+s1], $0x80, $0x38;
	[tilespmem:$0x8810] =	vst v63  }
0x14: {  	_ = 	snop  }
0x15: {  	[tilespmem:s17], [sflag:$0x1] =	stream.linear.gather [hbm4b:s8+s1], $0x80, $0x38;
	[tilespmem:$0x8810] =	vst v63  }
0x16: {  	_ = 	snop  }
0x17: {  	[tilespmem:s18], [sflag:$0x1] =	stream.linear.gather [hbm4b:s9+s1], $0x80, $0x38;
	[tilespmem:$0x8810] =	vst v63  }
0x18: {  	_ = 	snop  }
0x19: {  	[tilespmem:s19], [sflag:$0x1] =	stream.linear.gather [hbm4b:s10+s1], $0x80, $0x38;
	[tilespmem:$0x8810] =	vst v63  }
0x1a: {  	_ = 	snop  }
0x1b: {  	[tilespmem:s20], [sflag:$0x1] =	stream.linear.gather [hbm4b:s11+s1], $0x80, $0x38;
	[tilespmem:$0x8810] =	vst v63  }
0x1c: {  	_ = 	snop  }
0x1d: {  	[tilespmem:s21], [sflag:$0x1] =	stream.linear.gather [hbm4b:s12+s1], $0x80, $0x38;
	[tilespmem:$0x8810] =	vst v63  }
0x1e: {  	_ = 	snop  }
0x1f: {  	[tilespmem:s22], [sflag:$0x1] =	stream.linear.gather [hbm4b:s13+s1], $0x80, $0x38;
	[tilespmem:$0x8810] =	vst v63  }
0x20: {  	_ = 	snop  }
0x21: {  	[tilespmem:s23], [sflag:$0x1] =	stream.linear.gather [hbm4b:s14+s1], $0x80, $0x38;
	[tilespmem:$0x8810] =	vst v63  }
0x22: {  	s24 =	simm.s32 $0x8400  }
0x23: {  	[tilespmem:s24], [sflag:$0x2] =	stream.linear.gather [hbm4b:s5+s1], $0x200, $0x38;
	[tilespmem:$0x8810] =	vst v63  }
0x24: {  	_ =	swait.ge [sflag:s25], $0x200  }
0x25: {  	[sflag:s25] =	ssyncset.done $0x0  }
0x26: {  	s26 =	simm.s32 $0x8600;
	[sflag:s25] =	ssyncadd.s32 $0xFFFFFE00  }
0x27: {  	[tilespmem:s26], [sflag:$0x2] =	stream.linear.gather [hbm4b:s6+s1], $0x10, $0x38;
	[tilespmem:$0x8810] =	vst v63  }
0x28: {  	_ =	swait.ge [sflag:s25], $0x10  }
0x29: {  	[sflag:s25] =	ssyncset.done $0x0  }
0x2a: {  	[sflag:s25] =	ssyncadd.s32 $0xFFFFFFF0  }
0x2b: {  	_ =	swait.ge [sflag:s28], $0x80  }
0x2c: {  	[sflag:s28] =	ssyncset.done $0x0  }
0x2d: {  	[sflag:s28] =	ssyncadd.s32 $0xFFFFFF80  }
0x2e: {  	_ =	swait.ge [sflag:s28], $0x80  }
0x2f: {  	[sflag:s28] =	ssyncset.done $0x0  }
0x30: {  	[sflag:s28] =	ssyncadd.s32 $0xFFFFFF80  }
0x31: {  	_ =	swait.ge [sflag:s28], $0x80  }
0x32: {  	[sflag:s28] =	ssyncset.done $0x0  }
0x33: {  	[sflag:s28] =	ssyncadd.s32 $0xFFFFFF80  }
0x34: {  	_ =	swait.ge [sflag:s28], $0x80  }
0x35: {  	[sflag:s28] =	ssyncset.done $0x0  }
0x36: {  	[sflag:s28] =	ssyncadd.s32 $0xFFFFFF80  }
0x37: {  	_ =	swait.ge [sflag:s28], $0x80  }
0x38: {  	[sflag:s28] =	ssyncset.done $0x0  }
0x39: {  	[sflag:s28] =	ssyncadd.s32 $0xFFFFFF80  }
0x3a: {  	_ =	swait.ge [sflag:s28], $0x80  }
0x3b: {  	[sflag:s28] =	ssyncset.done $0x0  }
0x3c: {  	[sflag:s28] =	ssyncadd.s32 $0xFFFFFF80  }
0x3d: {  	_ =	swait.ge [sflag:s28], $0x80  }
0x3e: {  	[sflag:s28] =	ssyncset.done $0x0  }
0x3f: {  	[sflag:s28] =	ssyncadd.s32 $0xFFFFFF80  }
0x40: {  	_ =	swait.ge [sflag:s28], $0x80  }
0x41: {  	[sflag:s28] =	ssyncset.done $0x0  }
0x42: {  	[sflag:s28] =	ssyncadd.s32 $0xFFFFFF80  }
0x43: {  	[tilespmem:s29], [sflag:$0x1] =	stream.indirect.gather [hbm4b:s3+s18], $0x20, s1, s18, $0xb8;
	[tilespmem:$0x8810] =	vst v63  }
0x44: {  	_ = 	snop  }
0x45: {  	[tilespmem:s30], [sflag:$0x1] =	stream.indirect.gather [hbm4b:s4+s18], $0x20, s17, s18, $0xb8;
	[tilespmem:$0x8810] =	vst v63  }
0x46: {  	s26 =	simm.s32 $0x1400  }
0x47: {  	[tilespmem:s26], [sflag:$0x1] =	stream.indirect.gather [hbm4b:s3+s18], $0x20, s18, s18, $0xb8;
	[tilespmem:$0x8810] =	vst v63  }
0x48: {  	s26 =	simm.s32 $0x5400  }
0x49: {  	[tilespmem:s26], [sflag:$0x1] =	stream.indirect.gather [hbm4b:s4+s18], $0x20, s19, s18, $0xb8;
	[tilespmem:$0x8810] =	vst v63  }
0x4a: {  	s26 =	simm.s32 $0x2400  }
0x4b: {  	[tilespmem:s26], [sflag:$0x1] =	stream.indirect.gather [hbm4b:s3+s18], $0x20, s20, s18, $0xb8;
	[tilespmem:$0x8810] =	vst v63  }
0x4c: {  	s26 =	simm.s32 $0x6400  }
0x4d: {  	[tilespmem:s26], [sflag:$0x1] =	stream.indirect.gather [hbm4b:s4+s18], $0x20, s21, s18, $0xb8;
	[tilespmem:$0x8810] =	vst v63  }
0x4e: {  	s26 =	simm.s32 $0x3400  }
0x4f: {  	[tilespmem:s26], [sflag:$0x1] =	stream.indirect.gather [hbm4b:s3+s18], $0x20, s22, s18, $0xb8;
	[tilespmem:$0x8810] =	vst v63  }
0x50: {  	_ = 	snop  }
0x51: {  	[tilespmem:s31], [sflag:$0x1] =	stream.indirect.gather [hbm4b:s4+s18], $0x20, s23, s18, $0xb8;
	[tilespmem:$0x8810] =	vst v63  }
0x52: {  	_ =	swait.ge [sflag:s28], $0x1000  }
0x53: {  	[sflag:s28] =	ssyncset.done $0x0  }
0x54: {  	[sflag:s28] =	ssyncadd.s32 $0xFFFFF000  }
0x55: {  	_ =	swait.ge [sflag:s28], $0x1000  }
0x56: {  	[sflag:s28] =	ssyncset.done $0x0  }
0x57: {  	[sflag:s28] =	ssyncadd.s32 $0xFFFFF000  }
0x58: {  	_ =	swait.ge [sflag:s28], $0x1000  }
0x59: {  	[sflag:s28] =	ssyncset.done $0x0  }
0x5a: {  	[sflag:s28] =	ssyncadd.s32 $0xFFFFF000  }
0x5b: {  	_ =	swait.ge [sflag:s28], $0x1000  }
0x5c: {  	[sflag:s28] =	ssyncset.done $0x0  }
0x5d: {  	[sflag:s28] =	ssyncadd.s32 $0xFFFFF000  }
0x5e: {  	_ =	swait.ge [sflag:s28], $0x1000  }
0x5f: {  	[sflag:s28] =	ssyncset.done $0x0  }
0x60: {  	[sflag:s28] =	ssyncadd.s32 $0xFFFFF000  }
0x61: {  	_ =	swait.ge [sflag:s28], $0x1000  }
0x62: {  	[sflag:s28] =	ssyncset.done $0x0  }
0x63: {  	[sflag:s28] =	ssyncadd.s32 $0xFFFFF000  }
0x64: {  	_ =	swait.ge [sflag:s28], $0x1000  }
0x65: {  	[sflag:s28] =	ssyncset.done $0x0  }
0x66: {  	[sflag:s28] =	ssyncadd.s32 $0xFFFFF000  }
0x67: {  	_ =	swait.ge [sflag:s28], $0x1000  }
0x68: {  	[sflag:s28] =	ssyncset.done $0x0  }
0x69: {  	[sflag:s28] =	ssyncadd.s32 $0xFFFFF000  }
0x6a: {  	v31 =	vld [tilespmem:$0x8400]  }
0x6b: {  	v30 =	vld [tilespmem:$0x8410]  }
0x6c: {  	v29 =	vld [tilespmem:$0x8420]  }
0x6d: {  	v28 =	vld [tilespmem:$0x8430]  }
0x6e: {  	v27 =	vld [tilespmem:$0x8440]  }
0x6f: {  	v26 =	vld [tilespmem:$0x8450]  }
0x70: {  	v25 =	vld [tilespmem:$0x8460]  }
0x71: {  	v24 =	vld [tilespmem:$0x8470]  }
0x72: {  	v23 =	vld [tilespmem:$0x8480]  }
0x73: {  	v22 =	vld [tilespmem:$0x8490]  }
0x74: {  	v21 =	vld [tilespmem:$0x84A0]  }
0x75: {  	v20 =	vld [tilespmem:$0x84B0]  }
0x76: {  	v19 =	vld [tilespmem:$0x84C0]  }
0x77: {  	v18 =	vld [tilespmem:$0x84D0]  }
0x78: {  	v17 =	vld [tilespmem:$0x84E0]  }
0x79: {  	v16 =	vld [tilespmem:$0x84F0]  }
0x7a: {  	v15 =	vld [tilespmem:$0x8500]  }
0x7b: {  	v14 =	vld [tilespmem:$0x8510]  }
0x7c: {  	v13 =	vld [tilespmem:$0x8520]  }
0x7d: {  	v12 =	vld [tilespmem:$0x8530]  }
0x7e: {  	v11 =	vld [tilespmem:$0x8540]  }
0x7f: {  	v10 =	vld [tilespmem:$0x8550]  }
0x80: {  	v1 =	vmov s1;
	v9 =	vld [tilespmem:$0x8560]  }
0x81: {  	v1 =	vshll.u32 v1, $0x5;
	v8 =	vld [tilespmem:$0x8570]  }
0x82: {  	v2 =	vor.u32 v0, v1;
	v7 =	vld [tilespmem:$0x8580]  }
0x83: {  	v1 =	vand.u32 $0x3000, v1;
	v2 =	vand.u32 $0xFE0, v2;
	v6 =	vld [tilespmem:$0x8590]  }
0x84: {  	v32 =	vor.u32 v1, v2;
	v5 =	vld [tilespmem:$0x85A0]  }
0x85: {  	v4 =	vld [tilespmem:$0x85B0]  }
0x86: {  	v33 =	vor.u32 $0x1, v32;
	v3 =	vld [tilespmem:$0x85C0]  }
0x87: {  	v2 =	vld [tilespmem:$0x85D0]  }
0x88: {  	v34 =	vor.u32 $0x2, v32;
	v1 =	vld [tilespmem:$0x85E0]  }
0x89: {  	v35 =	vld.idx.msk [tilespmem:v32+s30+$0x0], $0xffff  }
0x8a: {  	v37 =	vor.u32 $0x3, v32;
	v36 =	vld.idx.msk [tilespmem:v32+s29+$0x0], $0xffff  }
0x8b: {  	v38 =	vld.idx.msk [tilespmem:v33+s29+$0x0], $0xffff  }
0x8c: {  	v39 =	vor.u32 $0x4, v32;
	v33 =	vld.idx.msk [tilespmem:v33+s30+$0x0], $0xffff  }
0x8d: {  	v40 =	vld.idx.msk [tilespmem:v34+s29+$0x0], $0xffff  }
0x8e: {  	v41 =	vor.u32 $0x5, v32;
	v34 =	vld.idx.msk [tilespmem:v34+s30+$0x0], $0xffff  }
0x8f: {  	v42 =	vld.idx.msk [tilespmem:v37+s29+$0x0], $0xffff;
	v35 =	vmul.f32 v35, v36  }
0x90: {  	v61 =	vor.u32 $0x6, v32;
	v60 =	vld.idx.msk [tilespmem:v37+s30+$0x0], $0xffff  }
0x91: {  	v43 =	vld.idx.msk [tilespmem:v39+s29+$0x0], $0xffff;
	v33 =	vmul.f32 v33, v38;
	v35 =	vmul.f32 v35, v31  }
0x92: {  	v63 =	vor.u32 $0x7, v32;
	v62 =	vld.idx.msk [tilespmem:v39+s30+$0x0], $0xffff  }
0x93: {  	v44 =	vld.idx.msk [tilespmem:v41+s29+$0x0], $0xffff;
	v34 =	vmul.f32 v34, v40;
	v33 =	vmul.f32 v33, v30;
	v35 =	vadd.f32 $0.0e+00, v35  }
0x94: {  	v48 =	vor.u32 $0x8, v32;
	v41 =	vld.idx.msk [tilespmem:v41+s30+$0x0], $0xffff  }
0x95: {  	v45 =	vld.idx.msk [tilespmem:v61+s29+$0x0], $0xffff;
	v49 =	vmul.f32 v60, v42;
	v34 =	vmul.f32 v34, v29;
	v33 =	vadd.f32 v33, v35  }
0x96: {  	v50 =	vor.u32 $0x9, v32;
	v37 =	vld.idx.msk [tilespmem:v61+s30+$0x0], $0xffff  }
0x97: {  	v51 =	vld.idx.msk [tilespmem:v63+s29+$0x0], $0xffff;
	v53 =	vmul.f32 v62, v43;
	v52 =	vmul.f32 v49, v28;
	v33 =	vadd.f32 v34, v33  }
0x98: {  	v54 =	vor.u32 $0xA, v32;
	v39 =	vld.idx.msk [tilespmem:v63+s30+$0x0], $0xffff  }
0x99: {  	v55 =	vld.idx.msk [tilespmem:v48+s29+$0x0], $0xffff;
	v57 =	vmul.f32 v41, v44;
	v56 =	vmul.f32 v53, v27;
	v33 =	vadd.f32 v52, v33  }
0x9a: {  	v58 =	vor.u32 $0xB, v32;
	v40 =	vld.idx.msk [tilespmem:v48+s30+$0x0], $0xffff  }
0x9b: {  	v59 =	vld.idx.msk [tilespmem:v50+s29+$0x0], $0xffff;
	v61 =	vmul.f32 v37, v45;
	v60 =	vmul.f32 v57, v26;
	v33 =	vadd.f32 v56, v33  }
0x9c: {  	v62 =	vor.u32 $0xC, v32;
	v36 =	vld.idx.msk [tilespmem:v50+s30+$0x0], $0xffff  }
0x9d: {  	v63 =	vld.idx.msk [tilespmem:v54+s29+$0x0], $0xffff;
	v48 =	vmul.f32 v61, v25;
	v49 =	vmul.f32 v39, v51;
	v33 =	vadd.f32 v60, v33  }
0x9e: {  	v50 =	vor.u32 $0xD, v32;
	v38 =	vld.idx.msk [tilespmem:v54+s30+$0x0], $0xffff  }
0x9f: {  	v41 =	vld.idx.msk [tilespmem:v58+s30+$0x0], $0xffff;
	v53 =	vmul.f32 v40, v55;
	v52 =	vmul.f32 v49, v24;
	v33 =	vadd.f32 v48, v33  }
0xa0: {  	v54 =	vor.u32 $0xE, v32;
	v51 =	vld.idx.msk [tilespmem:v58+s29+$0x0], $0xffff  }
0xa1: {  	v55 =	vld.idx.msk [tilespmem:v62+s29+$0x0], $0xffff;
	v57 =	vmul.f32 v36, v59;
	v56 =	vmul.f32 v53, v23;
	v33 =	vadd.f32 v52, v33  }
0xa2: {  	v58 =	vor.u32 $0xF, v32;
	v37 =	vld.idx.msk [tilespmem:v62+s30+$0x0], $0xffff  }
0xa3: {  	v59 =	vld.idx.msk [tilespmem:v50+s29+$0x0], $0xffff;
	v61 =	vmul.f32 v38, v63;
	v60 =	vmul.f32 v57, v22;
	v33 =	vadd.f32 v56, v33  }
0xa4: {  	v62 =	vor.u32 $0x10, v32;
	v39 =	vld.idx.msk [tilespmem:v50+s30+$0x0], $0xffff  }
0xa5: {  	v63 =	vld.idx.msk [tilespmem:v54+s29+$0x0], $0xffff;
	v49 =	vmul.f32 v41, v51;
	v48 =	vmul.f32 v61, v21;
	v33 =	vadd.f32 v60, v33  }
0xa6: {  	v50 =	vor.u32 $0x11, v32;
	v40 =	vld.idx.msk [tilespmem:v54+s30+$0x0], $0xffff  }
0xa7: {  	v36 =	vld.idx.msk [tilespmem:v58+s30+$0x0], $0xffff;
	v53 =	vmul.f32 v37, v55;
	v52 =	vmul.f32 v49, v20;
	v33 =	vadd.f32 v48, v33  }
0xa8: {  	v54 =	vor.u32 $0x12, v32;
	v51 =	vld.idx.msk [tilespmem:v58+s29+$0x0], $0xffff  }
0xa9: {  	v38 =	vld.idx.msk [tilespmem:v62+s30+$0x0], $0xffff;
	v57 =	vmul.f32 v39, v59;
	v56 =	vmul.f32 v53, v19;
	v33 =	vadd.f32 v52, v33  }
0xaa: {  	v58 =	vor.u32 $0x13, v32;
	v55 =	vld.idx.msk [tilespmem:v62+s29+$0x0], $0xffff  }
0xab: {  	v41 =	vld.idx.msk [tilespmem:v50+s30+$0x0], $0xffff;
	v61 =	vmul.f32 v40, v63;
	v60 =	vmul.f32 v57, v18;
	v33 =	vadd.f32 v56, v33  }
0xac: {  	v62 =	vor.u32 $0x14, v32;
	v59 =	vld.idx.msk [tilespmem:v50+s29+$0x0], $0xffff  }
0xad: {  	v37 =	vld.idx.msk [tilespmem:v54+s30+$0x0], $0xffff;
	v49 =	vmul.f32 v36, v51;
	v48 =	vmul.f32 v61, v17;
	v33 =	vadd.f32 v60, v33  }
0xae: {  	v50 =	vor.u32 $0x15, v32;
	v63 =	vld.idx.msk [tilespmem:v54+s29+$0x0], $0xffff  }
0xaf: {  	v39 =	vld.idx.msk [tilespmem:v58+s30+$0x0], $0xffff;
	v53 =	vmul.f32 v38, v55;
	v52 =	vmul.f32 v49, v16;
	v33 =	vadd.f32 v48, v33  }
0xb0: {  	v54 =	vor.u32 $0x16, v32;
	v51 =	vld.idx.msk [tilespmem:v58+s29+$0x0], $0xffff  }
0xb1: {  	v40 =	vld.idx.msk [tilespmem:v62+s30+$0x0], $0xffff;
	v57 =	vmul.f32 v41, v59;
	v56 =	vmul.f32 v53, v15;
	v33 =	vadd.f32 v52, v33  }
0xb2: {  	v58 =	vor.u32 $0x17, v32;
	v55 =	vld.idx.msk [tilespmem:v62+s29+$0x0], $0xffff  }
0xb3: {  	v36 =	vld.idx.msk [tilespmem:v50+s30+$0x0], $0xffff;
	v61 =	vmul.f32 v37, v63;
	v60 =	vmul.f32 v57, v14;
	v33 =	vadd.f32 v56, v33  }
0xb4: {  	v62 =	vor.u32 $0x18, v32;
	v59 =	vld.idx.msk [tilespmem:v50+s29+$0x0], $0xffff  }
0xb5: {  	v38 =	vld.idx.msk [tilespmem:v54+s30+$0x0], $0xffff;
	v49 =	vmul.f32 v39, v51;
	v48 =	vmul.f32 v61, v13;
	v33 =	vadd.f32 v60, v33  }
0xb6: {  	v50 =	vor.u32 $0x19, v32;
	v63 =	vld.idx.msk [tilespmem:v54+s29+$0x0], $0xffff  }
0xb7: {  	v41 =	vld.idx.msk [tilespmem:v58+s30+$0x0], $0xffff;
	v53 =	vmul.f32 v40, v55;
	v52 =	vmul.f32 v49, v12;
	v33 =	vadd.f32 v48, v33  }
0xb8: {  	v54 =	vor.u32 $0x1A, v32;
	v51 =	vld.idx.msk [tilespmem:v58+s29+$0x0], $0xffff  }
0xb9: {  	v37 =	vld.idx.msk [tilespmem:v62+s30+$0x0], $0xffff;
	v57 =	vmul.f32 v36, v59;
	v56 =	vmul.f32 v53, v11;
	v33 =	vadd.f32 v52, v33  }
0xba: {  	v58 =	vor.u32 $0x1B, v32;
	v55 =	vld.idx.msk [tilespmem:v62+s29+$0x0], $0xffff  }
0xbb: {  	v39 =	vld.idx.msk [tilespmem:v50+s30+$0x0], $0xffff;
	v61 =	vmul.f32 v38, v63;
	v60 =	vmul.f32 v57, v10;
	v33 =	vadd.f32 v56, v33  }
0xbc: {  	v62 =	vor.u32 $0x1C, v32;
	v59 =	vld.idx.msk [tilespmem:v50+s29+$0x0], $0xffff  }
0xbd: {  	v40 =	vld.idx.msk [tilespmem:v54+s30+$0x0], $0xffff;
	v47 =	vmul.f32 v41, v51;
	v46 =	vmul.f32 v61, v9;
	v33 =	vadd.f32 v60, v33  }
0xbe: {  	v63 =	vld.idx.msk [tilespmem:v54+s29+$0x0], $0xffff;
	v48 =	vor.u32 $0x1D, v32  }
0xbf: {  	v36 =	vld.idx.msk [tilespmem:v58+s30+$0x0], $0xffff;
	v50 =	vmul.f32 v47, v8;
	v51 =	vmul.f32 v37, v55;
	v33 =	vadd.f32 v46, v33  }
0xc0: {  	v49 =	vld.idx.msk [tilespmem:v58+s29+$0x0], $0xffff;
	v52 =	vor.u32 $0x1E, v32  }
0xc1: {  	v38 =	vld.idx.msk [tilespmem:v62+s30+$0x0], $0xffff;
	v54 =	vmul.f32 v51, v7;
	v55 =	vmul.f32 v39, v59;
	v33 =	vadd.f32 v50, v33  }
0xc2: {  	v53 =	vld.idx.msk [tilespmem:v62+s29+$0x0], $0xffff;
	v32 =	vor.u32 $0x1F, v32  }
0xc3: {  	v58 =	vmul.f32 v40, v63;
	v57 =	vmul.f32 v55, v6;
	v56 =	vld.idx.msk [tilespmem:v48+s29+$0x0], $0xffff;
	v33 =	vadd.f32 v54, v33  }
0xc4: {  	v59 =	vld.idx.msk [tilespmem:v48+s30+$0x0], $0xffff  }
0xc5: {  	v61 =	vmul.f32 v58, v5;
	v62 =	vmul.f32 v36, v49;
	v60 =	vld.idx.msk [tilespmem:v52+s29+$0x0], $0xffff;
	v33 =	vadd.f32 v57, v33  }
0xc6: {  	v63 =	vld.idx.msk [tilespmem:v52+s30+$0x0], $0xffff  }
0xc7: {  	v44 =	vmul.f32 v62, v4;
	v45 =	vmul.f32 v38, v53;
	v42 =	vld.idx.msk [tilespmem:v32+s29+$0x0], $0xffff;
	v33 =	vadd.f32 v61, v33  }
0xc8: {  	v46 =	vld.idx.msk [tilespmem:v32+s30+$0x0], $0xffff  }
0xc9: {  	v47 =	vmul.f32 v45, v3;
	v48 =	vmul.f32 v59, v56;
	v33 =	vadd.f32 v44, v33  }
0xca: {  	v32 =	vld [tilespmem:$0x85F0]  }
0xcb: {  	v49 =	vmul.f32 v48, v2;
	v50 =	vmul.f32 v63, v60;
	v33 =	vadd.f32 v47, v33;
	_ =	sdelay $0x1  }
0xcc: {  	v51 =	vmul.f32 v46, v42;
	v35 =	vmul.f32 v50, v1;
	v34 =	vadd.f32 v49, v33  }
0xcd: {  	v33 =	vld [tilespmem:$0x8600]  }
0xce: {  	v52 =	vmul.f32 v51, v32;
	v34 =	vadd.f32 v35, v34;
	_ =	sdelay $0x1  }
0xcf: {  	v34 =	vadd.f32 v52, v34;
	_ =	sdelay $0x1  }
0xd0: {  	v34 =	vadd.f32 v34, v33;
	_ =	sdelay $0x1  }
0xd1: {  	v34 =	vsub.f32 $0.0e+00, v34;
	_ =	sdelay $0x1  }
0xd2: {  	v34 =	vmul.f32 $1.442695020e+00, v34;
	_ =	sdelay $0x1  }
0xd3: {  	(erf) = vpow2.f32 v34;
	_ =	sdelay $0x8  }
0xd4: {  	v34 =	vpop (erf)  }
0xd5: {  	v34 =	vadd.f32 $1.000000000e+00, v34;
	_ =	sdelay $0x1  }
0xd6: {  	(erf) = vrcp.f32 v34  }
0xd7: {  	s26 =	simm.s32 $0x10  }
0xd8: {  	v53 =	vmov s26  }
0xd9: {  	v34 =	vshll.u32 v53, $0x5  }
0xda: {  	v54 =	vor.u32 v0, v34  }
0xdb: {  	v34 =	vand.u32 $0x3000, v34;
	v35 =	vand.u32 $0xFE0, v54  }
0xdc: {  	v34 =	vor.u32 v34, v35;
	_ =	sdelay $0x1  }
0xdd: {  	v35 =	vor.u32 $0x1, v34  }
0xde: {  	v55 =	vpop (erf)  }
0xdf: {  	v56 =	vor.u32 $0x2, v34;
	[tilespmem:s0+$0x0] =	vst v55  }
0xe0: {  	v36 =	vld.idx.msk [tilespmem:v34+s30+$0x0], $0xffff  }
0xe1: {  	v58 =	vor.u32 $0x3, v34;
	v57 =	vld.idx.msk [tilespmem:v34+s29+$0x0], $0xffff  }
0xe2: {  	v59 =	vld.idx.msk [tilespmem:v35+s29+$0x0], $0xffff  }
0xe3: {  	v60 =	vor.u32 $0x4, v34;
	v35 =	vld.idx.msk [tilespmem:v35+s30+$0x0], $0xffff  }
0xe4: {  	v61 =	vld.idx.msk [tilespmem:v56+s29+$0x0], $0xffff  }
0xe5: {  	v62 =	vor.u32 $0x5, v34;
	v37 =	vld.idx.msk [tilespmem:v56+s30+$0x0], $0xffff  }
0xe6: {  	v63 =	vld.idx.msk [tilespmem:v58+s29+$0x0], $0xffff;
	v36 =	vmul.f32 v36, v57  }
0xe7: {  	v49 =	vor.u32 $0x6, v34;
	v48 =	vld.idx.msk [tilespmem:v58+s30+$0x0], $0xffff  }
0xe8: {  	v50 =	vld.idx.msk [tilespmem:v60+s29+$0x0], $0xffff;
	v35 =	vmul.f32 v35, v59;
	v36 =	vmul.f32 v36, v31  }
0xe9: {  	v52 =	vor.u32 $0x7, v34;
	v51 =	vld.idx.msk [tilespmem:v60+s30+$0x0], $0xffff  }
0xea: {  	v46 =	vld.idx.msk [tilespmem:v62+s29+$0x0], $0xffff;
	v37 =	vmul.f32 v37, v61;
	v35 =	vmul.f32 v35, v30;
	v36 =	vadd.f32 $0.0e+00, v36  }
0xeb: {  	v53 =	vor.u32 $0x8, v34;
	v43 =	vld.idx.msk [tilespmem:v62+s30+$0x0], $0xffff  }
0xec: {  	v47 =	vld.idx.msk [tilespmem:v49+s29+$0x0], $0xffff;
	v55 =	vmul.f32 v48, v63;
	v54 =	vmul.f32 v37, v29;
	v35 =	vadd.f32 v35, v36  }
0xed: {  	v56 =	vor.u32 $0x9, v34;
	v39 =	vld.idx.msk [tilespmem:v49+s30+$0x0], $0xffff  }
0xee: {  	v41 =	vld.idx.msk [tilespmem:v52+s30+$0x0], $0xffff;
	v59 =	vmul.f32 v51, v50;
	v58 =	vmul.f32 v55, v28;
	v35 =	vadd.f32 v54, v35  }
0xef: {  	v60 =	vor.u32 $0xA, v34;
	v57 =	vld.idx.msk [tilespmem:v52+s29+$0x0], $0xffff  }
0xf0: {  	v42 =	vld.idx.msk [tilespmem:v53+s30+$0x0], $0xffff;
	v63 =	vmul.f32 v43, v46;
	v62 =	vmul.f32 v59, v27;
	v35 =	vadd.f32 v58, v35  }
0xf1: {  	v61 =	vld.idx.msk [tilespmem:v53+s29+$0x0], $0xffff;
	v48 =	vor.u32 $0xB, v34  }
0xf2: {  	v49 =	vld.idx.msk [tilespmem:v56+s29+$0x0], $0xffff;
	v51 =	vmul.f32 v39, v47;
	v50 =	vmul.f32 v63, v26;
	v35 =	vadd.f32 v62, v35  }
0xf3: {  	v52 =	vor.u32 $0xC, v34;
	v38 =	vld.idx.msk [tilespmem:v56+s30+$0x0], $0xffff  }
0xf4: {  	v53 =	vld.idx.msk [tilespmem:v60+s29+$0x0], $0xffff;
	v55 =	vmul.f32 v41, v57;
	v54 =	vmul.f32 v51, v25;
	v35 =	vadd.f32 v50, v35  }
0xf5: {  	v56 =	vor.u32 $0xD, v34;
	v40 =	vld.idx.msk [tilespmem:v60+s30+$0x0], $0xffff  }
0xf6: {  	v57 =	vld.idx.msk [tilespmem:v48+s29+$0x0], $0xffff;
	v59 =	vmul.f32 v42, v61;
	v58 =	vmul.f32 v55, v24;
	v35 =	vadd.f32 v54, v35  }
0xf7: {  	v60 =	vor.u32 $0xE, v34;
	v43 =	vld.idx.msk [tilespmem:v48+s30+$0x0], $0xffff  }
0xf8: {  	v61 =	vld.idx.msk [tilespmem:v52+s29+$0x0], $0xffff;
	v63 =	vmul.f32 v38, v49;
	v62 =	vmul.f32 v59, v23;
	v35 =	vadd.f32 v58, v35  }
0xf9: {  	v48 =	vor.u32 $0xF, v34;
	v39 =	vld.idx.msk [tilespmem:v52+s30+$0x0], $0xffff  }
0xfa: {  	v49 =	vld.idx.msk [tilespmem:v56+s29+$0x0], $0xffff;
	v51 =	vmul.f32 v40, v53;
	v50 =	vmul.f32 v63, v22;
	v35 =	vadd.f32 v62, v35  }
0xfb: {  	v52 =	vor.u32 $0x10, v34;
	v41 =	vld.idx.msk [tilespmem:v56+s30+$0x0], $0xffff  }
0xfc: {  	v42 =	vld.idx.msk [tilespmem:v60+s30+$0x0], $0xffff;
	v55 =	vmul.f32 v43, v57;
	v54 =	vmul.f32 v51, v21;
	v35 =	vadd.f32 v50, v35  }
0xfd: {  	v56 =	vor.u32 $0x11, v34;
	v53 =	vld.idx.msk [tilespmem:v60+s29+$0x0], $0xffff  }
0xfe: {  	v57 =	vld.idx.msk [tilespmem:v48+s29+$0x0], $0xffff;
	v59 =	vmul.f32 v39, v61;
	v58 =	vmul.f32 v55, v20;
	v35 =	vadd.f32 v54, v35  }
0xff: {  	v60 =	vor.u32 $0x12, v34;
	v38 =	vld.idx.msk [tilespmem:v48+s30+$0x0], $0xffff  }
0x100: {  	v40 =	vld.idx.msk [tilespmem:v52+s30+$0x0], $0xffff;
	v63 =	vmul.f32 v41, v49;
	v62 =	vmul.f32 v59, v19;
	v35 =	vadd.f32 v58, v35  }
0x101: {  	v48 =	vor.u32 $0x13, v34;
	v61 =	vld.idx.msk [tilespmem:v52+s29+$0x0], $0xffff  }
0x102: {  	v43 =	vld.idx.msk [tilespmem:v56+s30+$0x0], $0xffff;
	v51 =	vmul.f32 v42, v53;
	v50 =	vmul.f32 v63, v18;
	v35 =	vadd.f32 v62, v35  }
0x103: {  	v52 =	vor.u32 $0x14, v34;
	v49 =	vld.idx.msk [tilespmem:v56+s29+$0x0], $0xffff  }
0x104: {  	v39 =	vld.idx.msk [tilespmem:v60+s30+$0x0], $0xffff;
	v55 =	vmul.f32 v38, v57;
	v54 =	vmul.f32 v51, v17;
	v35 =	vadd.f32 v50, v35  }
0x105: {  	v56 =	vor.u32 $0x15, v34;
	v53 =	vld.idx.msk [tilespmem:v60+s29+$0x0], $0xffff  }
0x106: {  	v41 =	vld.idx.msk [tilespmem:v48+s30+$0x0], $0xffff;
	v59 =	vmul.f32 v40, v61;
	v58 =	vmul.f32 v55, v16;
	v35 =	vadd.f32 v54, v35  }
0x107: {  	v60 =	vor.u32 $0x16, v34;
	v57 =	vld.idx.msk [tilespmem:v48+s29+$0x0], $0xffff  }
0x108: {  	v42 =	vld.idx.msk [tilespmem:v52+s30+$0x0], $0xffff;
	v63 =	vmul.f32 v43, v49;
	v62 =	vmul.f32 v59, v15;
	v35 =	vadd.f32 v58, v35  }
0x109: {  	v48 =	vor.u32 $0x17, v34;
	v61 =	vld.idx.msk [tilespmem:v52+s29+$0x0], $0xffff  }
0x10a: {  	v38 =	vld.idx.msk [tilespmem:v56+s30+$0x0], $0xffff;
	v51 =	vmul.f32 v39, v53;
	v50 =	vmul.f32 v63, v14;
	v35 =	vadd.f32 v62, v35  }
0x10b: {  	v52 =	vor.u32 $0x18, v34;
	v49 =	vld.idx.msk [tilespmem:v56+s29+$0x0], $0xffff  }
0x10c: {  	v40 =	vld.idx.msk [tilespmem:v60+s30+$0x0], $0xffff;
	v55 =	vmul.f32 v41, v57;
	v54 =	vmul.f32 v51, v13;
	v35 =	vadd.f32 v50, v35  }
0x10d: {  	v56 =	vor.u32 $0x19, v34;
	v53 =	vld.idx.msk [tilespmem:v60+s29+$0x0], $0xffff  }
0x10e: {  	v43 =	vld.idx.msk [tilespmem:v48+s30+$0x0], $0xffff;
	v59 =	vmul.f32 v42, v61;
	v58 =	vmul.f32 v55, v12;
	v35 =	vadd.f32 v54, v35  }
0x10f: {  	v60 =	vor.u32 $0x1A, v34;
	v57 =	vld.idx.msk [tilespmem:v48+s29+$0x0], $0xffff  }
0x110: {  	v39 =	vld.idx.msk [tilespmem:v52+s30+$0x0], $0xffff;
	v63 =	vmul.f32 v38, v49;
	v62 =	vmul.f32 v59, v11;
	v35 =	vadd.f32 v58, v35  }
0x111: {  	v48 =	vor.u32 $0x1B, v34;
	v61 =	vld.idx.msk [tilespmem:v52+s29+$0x0], $0xffff  }
0x112: {  	v41 =	vld.idx.msk [tilespmem:v56+s30+$0x0], $0xffff;
	v51 =	vmul.f32 v40, v53;
	v50 =	vmul.f32 v63, v10;
	v35 =	vadd.f32 v62, v35  }
0x113: {  	v52 =	vor.u32 $0x1C, v34;
	v49 =	vld.idx.msk [tilespmem:v56+s29+$0x0], $0xffff  }
0x114: {  	v42 =	vld.idx.msk [tilespmem:v60+s30+$0x0], $0xffff;
	v55 =	vmul.f32 v43, v57;
	v54 =	vmul.f32 v51, v9;
	v35 =	vadd.f32 v50, v35  }
0x115: {  	v56 =	vor.u32 $0x1D, v34;
	v53 =	vld.idx.msk [tilespmem:v60+s29+$0x0], $0xffff  }
0x116: {  	v38 =	vld.idx.msk [tilespmem:v48+s30+$0x0], $0xffff;
	v59 =	vmul.f32 v39, v61;
	v58 =	vmul.f32 v55, v8;
	v35 =	vadd.f32 v54, v35  }
0x117: {  	v60 =	vor.u32 $0x1E, v34;
	v57 =	vld.idx.msk [tilespmem:v48+s29+$0x0], $0xffff  }
0x118: {  	v40 =	vld.idx.msk [tilespmem:v52+s30+$0x0], $0xffff;
	v63 =	vmul.f32 v41, v49;
	v62 =	vmul.f32 v59, v7;
	v35 =	vadd.f32 v58, v35  }
0x119: {  	v34 =	vor.u32 $0x1F, v34;
	v61 =	vld.idx.msk [tilespmem:v52+s29+$0x0], $0xffff  }
0x11a: {  	v46 =	vld.idx.msk [tilespmem:v56+s29+$0x0], $0xffff;
	v49 =	vmul.f32 v42, v53;
	v48 =	vmul.f32 v63, v6;
	v35 =	vadd.f32 v62, v35  }
0x11b: {  	v50 =	vld.idx.msk [tilespmem:v56+s30+$0x0], $0xffff  }
0x11c: {  	v53 =	vmul.f32 v38, v57;
	v51 =	vld.idx.msk [tilespmem:v60+s29+$0x0], $0xffff;
	v52 =	vmul.f32 v49, v5;
	v35 =	vadd.f32 v48, v35  }
0x11d: {  	v54 =	vld.idx.msk [tilespmem:v60+s30+$0x0], $0xffff  }
0x11e: {  	v57 =	vmul.f32 v40, v61;
	v55 =	vld.idx.msk [tilespmem:v34+s29+$0x0], $0xffff;
	v56 =	vmul.f32 v53, v4;
	v35 =	vadd.f32 v52, v35  }
0x11f: {  	v34 =	vld.idx.msk [tilespmem:v34+s30+$0x0], $0xffff  }
0x120: {  	v58 =	vmul.f32 v57, v3;
	v59 =	vmul.f32 v50, v46;
	v35 =	vadd.f32 v56, v35;
	_ =	sdelay $0x1  }
0x121: {  	v60 =	vmul.f32 v59, v2;
	v61 =	vmul.f32 v54, v51;
	v35 =	vadd.f32 v58, v35;
	_ =	sdelay $0x1  }
0x122: {  	v34 =	vmul.f32 v34, v55;
	v62 =	vmul.f32 v61, v1;
	v35 =	vadd.f32 v60, v35;
	_ =	sdelay $0x1  }
0x123: {  	v34 =	vmul.f32 v34, v32;
	v35 =	vadd.f32 v62, v35;
	_ =	sdelay $0x1  }
0x124: {  	v34 =	vadd.f32 v34, v35;
	_ =	sdelay $0x1  }
0x125: {  	v34 =	vadd.f32 v34, v33;
	_ =	sdelay $0x1  }
0x126: {  	v34 =	vsub.f32 $0.0e+00, v34;
	_ =	sdelay $0x1  }
0x127: {  	v34 =	vmul.f32 $1.442695020e+00, v34;
	_ =	sdelay $0x1  }
0x128: {  	(erf) = vpow2.f32 v34;
	_ =	sdelay $0x8  }
0x129: {  	v34 =	vpop (erf)  }
0x12a: {  	v34 =	vadd.f32 $1.000000000e+00, v34;
	_ =	sdelay $0x1  }
0x12b: {  	(erf) = vrcp.f32 v34  }
0x12c: {  	s26 =	simm.s32 $0x20  }
0x12d: {  	v63 =	vmov s26  }
0x12e: {  	s24 =	simm.s32 $0x8610;
	s26 =	simm.s32 $0x30;
	v34 =	vshll.u32 v63, $0x5  }
.LBB2_2:
0x12f: {  	p0 =	sne.s32 s26, $0x1F0;
	v35 =	vor.u32 v0, v34  }
0x130: {  	v34 =	vand.u32 $0x3000, v34;
	v35 =	vand.u32 $0xFE0, v35  }
0x131: {  	v34 =	vor.u32 v34, v35;
	_ =	sdelay $0x1  }
0x132: {  	v35 =	vor.u32 $0x1, v34  }
0x133: {  	s24 =	sadd.s32 $0x10, s24;
	v36 =	vpop (erf)  }
0x134: {  	v37 =	vor.u32 $0x2, v34;
	[tilespmem:s24+$0x0] =	vst v36  }
0x135: {  	v36 =	vld.idx.msk [tilespmem:v34+s30+$0x0], $0xffff  }
0x136: {  	v39 =	vor.u32 $0x3, v34;
	v38 =	vld.idx.msk [tilespmem:v34+s29+$0x0], $0xffff  }
0x137: {  	v40 =	vld.idx.msk [tilespmem:v35+s29+$0x0], $0xffff  }
0x138: {  	v41 =	vor.u32 $0x4, v34;
	v35 =	vld.idx.msk [tilespmem:v35+s30+$0x0], $0xffff  }
0x139: {  	v42 =	vld.idx.msk [tilespmem:v37+s29+$0x0], $0xffff  }
0x13a: {  	v43 =	vor.u32 $0x5, v34;
	v37 =	vld.idx.msk [tilespmem:v37+s30+$0x0], $0xffff  }
0x13b: {  	v44 =	vld.idx.msk [tilespmem:v39+s29+$0x0], $0xffff  }
0x13c: {  	v36 =	vmul.f32 v36, v38;
	v38 =	vld.idx.msk [tilespmem:v39+s30+$0x0], $0xffff;
	v39 =	vor.u32 $0x6, v34  }
0x13d: {  	v45 =	vld.idx.msk [tilespmem:v41+s29+$0x0], $0xffff  }
0x13e: {  	v36 =	vmul.f32 v36, v31;
	v35 =	vmul.f32 v35, v40;
	v40 =	vld.idx.msk [tilespmem:v41+s30+$0x0], $0xffff;
	v41 =	vor.u32 $0x7, v34  }
0x13f: {  	v47 =	vor.u32 $0x8, v34;
	v46 =	vld.idx.msk [tilespmem:v43+s29+$0x0], $0xffff  }
0x140: {  	v36 =	vadd.f32 $0.0e+00, v36;
	v35 =	vmul.f32 v35, v30;
	v37 =	vmul.f32 v37, v42;
	v42 =	vld.idx.msk [tilespmem:v43+s30+$0x0], $0xffff  }
0x141: {  	v48 =	vor.u32 $0x9, v34;
	v43 =	vld.idx.msk [tilespmem:v39+s29+$0x0], $0xffff  }
0x142: {  	v35 =	vadd.f32 v35, v36;
	v36 =	vmul.f32 v37, v29;
	v37 =	vmul.f32 v38, v44;
	v38 =	vld.idx.msk [tilespmem:v39+s30+$0x0], $0xffff  }
0x143: {  	v44 =	vor.u32 $0xA, v34;
	v39 =	vld.idx.msk [tilespmem:v41+s29+$0x0], $0xffff  }
0x144: {  	v35 =	vadd.f32 v36, v35;
	v36 =	vmul.f32 v37, v28;
	v37 =	vmul.f32 v40, v45;
	v40 =	vld.idx.msk [tilespmem:v41+s30+$0x0], $0xffff  }
0x145: {  	v45 =	vor.u32 $0xB, v34;
	v41 =	vld.idx.msk [tilespmem:v47+s29+$0x0], $0xffff  }
0x146: {  	v35 =	vadd.f32 v36, v35;
	v36 =	vmul.f32 v37, v27;
	v37 =	vmul.f32 v42, v46;
	v42 =	vld.idx.msk [tilespmem:v47+s30+$0x0], $0xffff  }
0x147: {  	v47 =	vor.u32 $0xC, v34;
	v46 =	vld.idx.msk [tilespmem:v48+s29+$0x0], $0xffff  }
0x148: {  	v35 =	vadd.f32 v36, v35;
	v36 =	vmul.f32 v37, v26;
	v37 =	vmul.f32 v38, v43;
	v38 =	vld.idx.msk [tilespmem:v48+s30+$0x0], $0xffff  }
0x149: {  	v48 =	vor.u32 $0xD, v34;
	v43 =	vld.idx.msk [tilespmem:v44+s29+$0x0], $0xffff  }
0x14a: {  	v35 =	vadd.f32 v36, v35;
	v36 =	vmul.f32 v37, v25;
	v37 =	vmul.f32 v40, v39;
	v39 =	vld.idx.msk [tilespmem:v44+s30+$0x0], $0xffff  }
0x14b: {  	v44 =	vor.u32 $0xE, v34;
	v40 =	vld.idx.msk [tilespmem:v45+s29+$0x0], $0xffff  }
0x14c: {  	v35 =	vadd.f32 v36, v35;
	v36 =	vmul.f32 v37, v24;
	v37 =	vmul.f32 v42, v41;
	v41 =	vld.idx.msk [tilespmem:v45+s30+$0x0], $0xffff  }
0x14d: {  	v45 =	vor.u32 $0xF, v34;
	v42 =	vld.idx.msk [tilespmem:v47+s29+$0x0], $0xffff  }
0x14e: {  	v35 =	vadd.f32 v36, v35;
	v36 =	vmul.f32 v37, v23;
	v37 =	vmul.f32 v38, v46;
	v38 =	vld.idx.msk [tilespmem:v47+s30+$0x0], $0xffff  }
0x14f: {  	v47 =	vor.u32 $0x10, v34;
	v46 =	vld.idx.msk [tilespmem:v48+s29+$0x0], $0xffff  }
0x150: {  	v35 =	vadd.f32 v36, v35;
	v36 =	vmul.f32 v37, v22;
	v37 =	vmul.f32 v39, v43;
	v39 =	vld.idx.msk [tilespmem:v48+s30+$0x0], $0xffff  }
0x151: {  	v48 =	vor.u32 $0x11, v34;
	v43 =	vld.idx.msk [tilespmem:v44+s29+$0x0], $0xffff  }
0x152: {  	v35 =	vadd.f32 v36, v35;
	v36 =	vmul.f32 v37, v21;
	v37 =	vmul.f32 v41, v40;
	v40 =	vld.idx.msk [tilespmem:v44+s30+$0x0], $0xffff  }
0x153: {  	v44 =	vor.u32 $0x12, v34;
	v41 =	vld.idx.msk [tilespmem:v45+s29+$0x0], $0xffff  }
0x154: {  	v35 =	vadd.f32 v36, v35;
	v36 =	vmul.f32 v37, v20;
	v37 =	vmul.f32 v38, v42;
	v38 =	vld.idx.msk [tilespmem:v45+s30+$0x0], $0xffff  }
0x155: {  	v45 =	vor.u32 $0x13, v34;
	v42 =	vld.idx.msk [tilespmem:v47+s29+$0x0], $0xffff  }
0x156: {  	v35 =	vadd.f32 v36, v35;
	v36 =	vmul.f32 v37, v19;
	v37 =	vmul.f32 v39, v46;
	v39 =	vld.idx.msk [tilespmem:v47+s30+$0x0], $0xffff  }
0x157: {  	v47 =	vor.u32 $0x14, v34;
	v46 =	vld.idx.msk [tilespmem:v48+s29+$0x0], $0xffff  }
0x158: {  	v35 =	vadd.f32 v36, v35;
	v36 =	vmul.f32 v37, v18;
	v37 =	vmul.f32 v40, v43;
	v40 =	vld.idx.msk [tilespmem:v48+s30+$0x0], $0xffff  }
0x159: {  	v48 =	vor.u32 $0x15, v34;
	v43 =	vld.idx.msk [tilespmem:v44+s29+$0x0], $0xffff  }
0x15a: {  	v35 =	vadd.f32 v36, v35;
	v36 =	vmul.f32 v37, v17;
	v37 =	vmul.f32 v38, v41;
	v38 =	vld.idx.msk [tilespmem:v44+s30+$0x0], $0xffff  }
0x15b: {  	v44 =	vor.u32 $0x16, v34;
	v41 =	vld.idx.msk [tilespmem:v45+s29+$0x0], $0xffff  }
0x15c: {  	v35 =	vadd.f32 v36, v35;
	v36 =	vmul.f32 v37, v16;
	v37 =	vmul.f32 v39, v42;
	v39 =	vld.idx.msk [tilespmem:v45+s30+$0x0], $0xffff  }
0x15d: {  	v45 =	vor.u32 $0x17, v34;
	v42 =	vld.idx.msk [tilespmem:v47+s29+$0x0], $0xffff  }
0x15e: {  	v35 =	vadd.f32 v36, v35;
	v36 =	vmul.f32 v37, v15;
	v37 =	vmul.f32 v40, v46;
	v40 =	vld.idx.msk [tilespmem:v47+s30+$0x0], $0xffff  }
0x15f: {  	v47 =	vor.u32 $0x18, v34;
	v46 =	vld.idx.msk [tilespmem:v48+s29+$0x0], $0xffff  }
0x160: {  	v35 =	vadd.f32 v36, v35;
	v36 =	vmul.f32 v37, v14;
	v37 =	vmul.f32 v38, v43;
	v38 =	vld.idx.msk [tilespmem:v48+s30+$0x0], $0xffff  }
0x161: {  	v48 =	vor.u32 $0x19, v34;
	v43 =	vld.idx.msk [tilespmem:v44+s29+$0x0], $0xffff  }
0x162: {  	v35 =	vadd.f32 v36, v35;
	v36 =	vmul.f32 v37, v13;
	v37 =	vmul.f32 v39, v41;
	v39 =	vld.idx.msk [tilespmem:v44+s30+$0x0], $0xffff  }
0x163: {  	v44 =	vor.u32 $0x1A, v34;
	v41 =	vld.idx.msk [tilespmem:v45+s29+$0x0], $0xffff  }
0x164: {  	v35 =	vadd.f32 v36, v35;
	v36 =	vmul.f32 v37, v12;
	v37 =	vmul.f32 v40, v42;
	v40 =	vld.idx.msk [tilespmem:v45+s30+$0x0], $0xffff  }
0x165: {  	v45 =	vor.u32 $0x1B, v34;
	v42 =	vld.idx.msk [tilespmem:v47+s29+$0x0], $0xffff  }
0x166: {  	v35 =	vadd.f32 v36, v35;
	v36 =	vmul.f32 v37, v11;
	v37 =	vmul.f32 v38, v46;
	v38 =	vld.idx.msk [tilespmem:v47+s30+$0x0], $0xffff  }
0x167: {  	v47 =	vor.u32 $0x1C, v34;
	v46 =	vld.idx.msk [tilespmem:v48+s29+$0x0], $0xffff  }
0x168: {  	v35 =	vadd.f32 v36, v35;
	v36 =	vmul.f32 v37, v10;
	v37 =	vmul.f32 v39, v43;
	v39 =	vld.idx.msk [tilespmem:v48+s30+$0x0], $0xffff  }
0x169: {  	v48 =	vor.u32 $0x1D, v34;
	v43 =	vld.idx.msk [tilespmem:v44+s29+$0x0], $0xffff  }
0x16a: {  	v35 =	vadd.f32 v36, v35;
	v36 =	vmul.f32 v37, v9;
	v37 =	vmul.f32 v40, v41;
	v40 =	vld.idx.msk [tilespmem:v44+s30+$0x0], $0xffff  }
0x16b: {  	v44 =	vor.u32 $0x1E, v34;
	v41 =	vld.idx.msk [tilespmem:v45+s29+$0x0], $0xffff  }
0x16c: {  	v35 =	vadd.f32 v36, v35;
	v36 =	vmul.f32 v37, v8;
	v37 =	vmul.f32 v38, v42;
	v38 =	vld.idx.msk [tilespmem:v45+s30+$0x0], $0xffff  }
0x16d: {  	v34 =	vor.u32 $0x1F, v34;
	v42 =	vld.idx.msk [tilespmem:v47+s29+$0x0], $0xffff  }
0x16e: {  	v35 =	vadd.f32 v36, v35;
	v36 =	vmul.f32 v37, v7;
	v37 =	vmul.f32 v39, v46;
	v39 =	vld.idx.msk [tilespmem:v47+s30+$0x0], $0xffff  }
0x16f: {  	v45 =	vld.idx.msk [tilespmem:v48+s29+$0x0], $0xffff  }
0x170: {  	v35 =	vadd.f32 v36, v35;
	v36 =	vmul.f32 v37, v6;
	v37 =	vmul.f32 v40, v43;
	v40 =	vld.idx.msk [tilespmem:v48+s30+$0x0], $0xffff  }
0x171: {  	v43 =	vld.idx.msk [tilespmem:v44+s29+$0x0], $0xffff  }
0x172: {  	v35 =	vadd.f32 v36, v35;
	v36 =	vmul.f32 v37, v5;
	v37 =	vmul.f32 v38, v41;
	v38 =	vld.idx.msk [tilespmem:v44+s30+$0x0], $0xffff  }
0x173: {  	v41 =	vld.idx.msk [tilespmem:v34+s29+$0x0], $0xffff  }
0x174: {  	v35 =	vadd.f32 v36, v35;
	v36 =	vmul.f32 v37, v4;
	v37 =	vmul.f32 v39, v42;
	v34 =	vld.idx.msk [tilespmem:v34+s30+$0x0], $0xffff;
	_ =	sdelay $0x1  }
0x175: {  	v35 =	vadd.f32 v36, v35;
	v36 =	vmul.f32 v37, v3;
	v37 =	vmul.f32 v40, v45;
	_ =	sdelay $0x1  }
0x176: {  	v35 =	vadd.f32 v36, v35;
	v36 =	vmul.f32 v37, v2;
	v37 =	vmul.f32 v38, v43;
	_ =	sdelay $0x1  }
0x177: {  	v35 =	vadd.f32 v36, v35;
	v36 =	vmul.f32 v37, v1;
	v34 =	vmul.f32 v34, v41;
	_ =	sdelay $0x1  }
0x178: {  	v35 =	vadd.f32 v36, v35;
	v34 =	vmul.f32 v34, v32;
	_ =	sdelay $0x1  }
0x179: {  	v34 =	vadd.f32 v34, v35;
	_ =	sdelay $0x1  }
0x17a: {  	v34 =	vadd.f32 v34, v33;
	_ =	sdelay $0x1  }
0x17b: {  	v34 =	vsub.f32 $0.0e+00, v34;
	_ =	sdelay $0x1  }
0x17c: {  	v34 =	vmul.f32 $1.442695020e+00, v34;
	_ =	sdelay $0x1  }
0x17d: {  	(erf) = vpow2.f32 v34;
	_ =	sdelay $0x8  }
0x17e: {  	v34 =	vpop (erf)  }
0x17f: {  	v34 =	vadd.f32 $1.000000000e+00, v34  }
.Ltmp0:
0x180: {  	(pc) =	sbr.rel @p0 .LBB2_2-.Ltmp0, $3  }
0x181: {  	(erf) = vrcp.f32 v34;
	_ =	sdelay $0x1  }
0x182: {  	v34 =	vmov s26  }
0x183: {  	s26 =	sadd.s32 $0x10, s26;
	v34 =	vshll.u32 v34, $0x5  }
0x184: {  	v35 =	vor.u32 v0, v34  }
0x185: {  	v51 =	vand.u32 $0x3000, v34;
	v35 =	vand.u32 $0xFE0, v35  }
0x186: {  	v34 =	vor.u32 v51, v35;
	_ =	sdelay $0x1  }
0x187: {  	v35 =	vor.u32 $0x1, v34  }
0x188: {  	s24 =	sadd.s32 $0x10, s24;
	v36 =	vpop (erf)  }
0x189: {  	v37 =	vor.u32 $0x2, v34;
	[tilespmem:s24+$0x0] =	vst v36  }
0x18a: {  	v36 =	vld.idx.msk [tilespmem:v34+s30+$0x0], $0xffff  }
0x18b: {  	v39 =	vor.u32 $0x3, v34;
	v38 =	vld.idx.msk [tilespmem:v34+s29+$0x0], $0xffff  }
0x18c: {  	v40 =	vld.idx.msk [tilespmem:v35+s29+$0x0], $0xffff  }
0x18d: {  	v41 =	vor.u32 $0x4, v34;
	v35 =	vld.idx.msk [tilespmem:v35+s30+$0x0], $0xffff  }
0x18e: {  	v42 =	vld.idx.msk [tilespmem:v37+s29+$0x0], $0xffff  }
0x18f: {  	v43 =	vor.u32 $0x5, v34;
	v37 =	vld.idx.msk [tilespmem:v37+s30+$0x0], $0xffff  }
0x190: {  	v44 =	vld.idx.msk [tilespmem:v39+s29+$0x0], $0xffff;
	v36 =	vmul.f32 v36, v38  }
0x191: {  	v53 =	vor.u32 $0x6, v34;
	v52 =	vld.idx.msk [tilespmem:v39+s30+$0x0], $0xffff  }
0x192: {  	v45 =	vld.idx.msk [tilespmem:v41+s29+$0x0], $0xffff;
	v35 =	vmul.f32 v35, v40;
	v31 =	vmul.f32 v36, v31  }
0x193: {  	v55 =	vor.u32 $0x7, v34;
	v54 =	vld.idx.msk [tilespmem:v41+s30+$0x0], $0xffff  }
0x194: {  	v56 =	vld.idx.msk [tilespmem:v43+s29+$0x0], $0xffff;
	v57 =	vmul.f32 v37, v42;
	v30 =	vmul.f32 v35, v30;
	v31 =	vadd.f32 $0.0e+00, v31  }
0x195: {  	v58 =	vor.u32 $0x8, v34;
	v59 =	vld.idx.msk [tilespmem:v43+s30+$0x0], $0xffff  }
0x196: {  	v60 =	vld.idx.msk [tilespmem:v53+s29+$0x0], $0xffff;
	v61 =	vmul.f32 v52, v44;
	v29 =	vmul.f32 v57, v29;
	v30 =	vadd.f32 v30, v31  }
0x197: {  	v62 =	vor.u32 $0x9, v34;
	v63 =	vld.idx.msk [tilespmem:v53+s30+$0x0], $0xffff  }
0x198: {  	v48 =	vld.idx.msk [tilespmem:v55+s30+$0x0], $0xffff;
	v46 =	vmul.f32 v54, v45;
	v28 =	vmul.f32 v61, v28;
	v29 =	vadd.f32 v29, v30  }
0x199: {  	v47 =	vor.u32 $0xA, v34;
	v44 =	vld.idx.msk [tilespmem:v55+s29+$0x0], $0xffff  }
0x19a: {  	v49 =	vld.idx.msk [tilespmem:v58+s29+$0x0], $0xffff;
	v50 =	vmul.f32 v59, v56;
	v27 =	vmul.f32 v46, v27;
	v28 =	vadd.f32 v28, v29  }
0x19b: {  	v51 =	vor.u32 $0xB, v34;
	v37 =	vld.idx.msk [tilespmem:v58+s30+$0x0], $0xffff  }
0x19c: {  	v52 =	vld.idx.msk [tilespmem:v62+s29+$0x0], $0xffff;
	v53 =	vmul.f32 v63, v60;
	v26 =	vmul.f32 v50, v26;
	v27 =	vadd.f32 v27, v28  }
0x19d: {  	v54 =	vor.u32 $0xC, v34;
	v35 =	vld.idx.msk [tilespmem:v62+s30+$0x0], $0xffff  }
0x19e: {  	v55 =	vld.idx.msk [tilespmem:v47+s29+$0x0], $0xffff;
	v25 =	vmul.f32 v53, v25;
	v56 =	vmul.f32 v48, v44;
	v26 =	vadd.f32 v26, v27  }
0x19f: {  	v57 =	vor.u32 $0xD, v34;
	v31 =	vld.idx.msk [tilespmem:v47+s30+$0x0], $0xffff  }
0x1a0: {  	v58 =	vld.idx.msk [tilespmem:v51+s29+$0x0], $0xffff;
	v59 =	vmul.f32 v37, v49;
	v24 =	vmul.f32 v56, v24;
	v25 =	vadd.f32 v25, v26  }
0x1a1: {  	v60 =	vor.u32 $0xE, v34;
	v30 =	vld.idx.msk [tilespmem:v51+s30+$0x0], $0xffff  }
0x1a2: {  	v61 =	vld.idx.msk [tilespmem:v54+s29+$0x0], $0xffff;
	v23 =	vmul.f32 v59, v23;
	v62 =	vmul.f32 v35, v52;
	v24 =	vadd.f32 v24, v25  }
0x1a3: {  	v63 =	vor.u32 $0xF, v34;
	v29 =	vld.idx.msk [tilespmem:v54+s30+$0x0], $0xffff  }
0x1a4: {  	v39 =	vld.idx.msk [tilespmem:v57+s29+$0x0], $0xffff;
	v22 =	vmul.f32 v62, v22;
	v40 =	vmul.f32 v31, v55;
	v23 =	vadd.f32 v23, v24  }
0x1a5: {  	v41 =	vor.u32 $0x10, v34;
	v28 =	vld.idx.msk [tilespmem:v57+s30+$0x0], $0xffff  }
0x1a6: {  	v42 =	vld.idx.msk [tilespmem:v60+s29+$0x0], $0xffff;
	v21 =	vmul.f32 v40, v21;
	v43 =	vmul.f32 v30, v58;
	v22 =	vadd.f32 v22, v23  }
0x1a7: {  	v44 =	vor.u32 $0x11, v34;
	v27 =	vld.idx.msk [tilespmem:v60+s30+$0x0], $0xffff  }
0x1a8: {  	v45 =	vld.idx.msk [tilespmem:v63+s29+$0x0], $0xffff;
	v20 =	vmul.f32 v43, v20;
	v46 =	vmul.f32 v29, v61;
	v21 =	vadd.f32 v21, v22  }
0x1a9: {  	v47 =	vor.u32 $0x12, v34;
	v26 =	vld.idx.msk [tilespmem:v63+s30+$0x0], $0xffff  }
0x1aa: {  	v48 =	vld.idx.msk [tilespmem:v41+s29+$0x0], $0xffff;
	v19 =	vmul.f32 v46, v19;
	v49 =	vmul.f32 v28, v39;
	v20 =	vadd.f32 v20, v21  }
0x1ab: {  	v50 =	vor.u32 $0x13, v34;
	v25 =	vld.idx.msk [tilespmem:v41+s30+$0x0], $0xffff  }
0x1ac: {  	v51 =	vld.idx.msk [tilespmem:v44+s29+$0x0], $0xffff;
	v18 =	vmul.f32 v49, v18;
	v52 =	vmul.f32 v27, v42;
	v19 =	vadd.f32 v19, v20  }
0x1ad: {  	v53 =	vor.u32 $0x14, v34;
	v24 =	vld.idx.msk [tilespmem:v44+s30+$0x0], $0xffff  }
0x1ae: {  	v54 =	vld.idx.msk [tilespmem:v47+s29+$0x0], $0xffff;
	v17 =	vmul.f32 v52, v17;
	v55 =	vmul.f32 v26, v45;
	v18 =	vadd.f32 v18, v19  }
0x1af: {  	v56 =	vor.u32 $0x15, v34;
	v23 =	vld.idx.msk [tilespmem:v47+s30+$0x0], $0xffff  }
0x1b0: {  	v57 =	vld.idx.msk [tilespmem:v50+s29+$0x0], $0xffff;
	v16 =	vmul.f32 v55, v16;
	v58 =	vmul.f32 v25, v48;
	v17 =	vadd.f32 v17, v18  }
0x1b1: {  	v59 =	vor.u32 $0x16, v34;
	v22 =	vld.idx.msk [tilespmem:v50+s30+$0x0], $0xffff  }
0x1b2: {  	v60 =	vld.idx.msk [tilespmem:v53+s29+$0x0], $0xffff;
	v15 =	vmul.f32 v58, v15;
	v61 =	vmul.f32 v24, v51;
	v16 =	vadd.f32 v16, v17  }
0x1b3: {  	v62 =	vor.u32 $0x17, v34;
	v21 =	vld.idx.msk [tilespmem:v53+s30+$0x0], $0xffff  }
0x1b4: {  	v63 =	vld.idx.msk [tilespmem:v56+s29+$0x0], $0xffff;
	v14 =	vmul.f32 v61, v14;
	v27 =	vmul.f32 v23, v54;
	v15 =	vadd.f32 v15, v16  }
0x1b5: {  	v28 =	vor.u32 $0x18, v34;
	v20 =	vld.idx.msk [tilespmem:v56+s30+$0x0], $0xffff  }
0x1b6: {  	v29 =	vld.idx.msk [tilespmem:v59+s29+$0x0], $0xffff;
	v13 =	vmul.f32 v27, v13;
	v30 =	vmul.f32 v22, v57;
	v14 =	vadd.f32 v14, v15  }
0x1b7: {  	v31 =	vor.u32 $0x19, v34;
	v19 =	vld.idx.msk [tilespmem:v59+s30+$0x0], $0xffff  }
0x1b8: {  	v35 =	vld.idx.msk [tilespmem:v62+s29+$0x0], $0xffff;
	v12 =	vmul.f32 v30, v12;
	v36 =	vmul.f32 v21, v60;
	v13 =	vadd.f32 v13, v14  }
0x1b9: {  	v37 =	vor.u32 $0x1A, v34;
	v18 =	vld.idx.msk [tilespmem:v62+s30+$0x0], $0xffff  }
0x1ba: {  	v38 =	vld.idx.msk [tilespmem:v28+s29+$0x0], $0xffff;
	v11 =	vmul.f32 v36, v11;
	v39 =	vmul.f32 v20, v63;
	v12 =	vadd.f32 v12, v13  }
0x1bb: {  	v40 =	vor.u32 $0x1B, v34;
	v17 =	vld.idx.msk [tilespmem:v28+s30+$0x0], $0xffff  }
0x1bc: {  	v41 =	vld.idx.msk [tilespmem:v31+s29+$0x0], $0xffff;
	v10 =	vmul.f32 v39, v10;
	v42 =	vmul.f32 v19, v29;
	v11 =	vadd.f32 v11, v12  }
0x1bd: {  	v43 =	vor.u32 $0x1C, v34;
	v16 =	vld.idx.msk [tilespmem:v31+s30+$0x0], $0xffff  }
0x1be: {  	v44 =	vld.idx.msk [tilespmem:v37+s29+$0x0], $0xffff;
	v9 =	vmul.f32 v42, v9;
	v45 =	vmul.f32 v18, v35;
	v10 =	vadd.f32 v10, v11  }
0x1bf: {  	v46 =	vor.u32 $0x1D, v34;
	v15 =	vld.idx.msk [tilespmem:v37+s30+$0x0], $0xffff  }
0x1c0: {  	v47 =	vld.idx.msk [tilespmem:v40+s29+$0x0], $0xffff;
	v8 =	vmul.f32 v45, v8;
	v48 =	vmul.f32 v17, v38;
	v9 =	vadd.f32 v9, v10  }
0x1c1: {  	v49 =	vor.u32 $0x1E, v34;
	v14 =	vld.idx.msk [tilespmem:v40+s30+$0x0], $0xffff  }
0x1c2: {  	v50 =	vld.idx.msk [tilespmem:v43+s29+$0x0], $0xffff;
	v7 =	vmul.f32 v48, v7;
	v51 =	vmul.f32 v16, v41;
	v8 =	vadd.f32 v8, v9  }
0x1c3: {  	v52 =	vor.u32 $0x1F, v34;
	v13 =	vld.idx.msk [tilespmem:v43+s30+$0x0], $0xffff  }
0x1c4: {  	v55 =	vld.idx.msk [tilespmem:v46+s30+$0x0], $0xffff;
	v6 =	vmul.f32 v51, v6;
	v54 =	vmul.f32 v15, v44;
	v7 =	vadd.f32 v7, v8  }
0x1c5: {  	v53 =	vld.idx.msk [tilespmem:v46+s29+$0x0], $0xffff  }
0x1c6: {  	v58 =	vld.idx.msk [tilespmem:v49+s30+$0x0], $0xffff;
	v5 =	vmul.f32 v54, v5;
	v57 =	vmul.f32 v14, v47;
	v6 =	vadd.f32 v6, v7  }
0x1c7: {  	v56 =	vld.idx.msk [tilespmem:v49+s29+$0x0], $0xffff  }
0x1c8: {  	v61 =	vld.idx.msk [tilespmem:v52+s30+$0x0], $0xffff;
	v4 =	vmul.f32 v57, v4;
	v60 =	vmul.f32 v13, v50;
	v5 =	vadd.f32 v5, v6  }
0x1c9: {  	v59 =	vld.idx.msk [tilespmem:v52+s29+$0x0], $0xffff  }
0x1ca: {  	v62 =	vmul.f32 v55, v53;
	v3 =	vmul.f32 v60, v3;
	v4 =	vadd.f32 v4, v5;
	_ =	sdelay $0x1  }
0x1cb: {  	v63 =	vmul.f32 v58, v56;
	v2 =	vmul.f32 v62, v2;
	v3 =	vadd.f32 v3, v4;
	_ =	sdelay $0x1  }
0x1cc: {  	v1 =	vmul.f32 v63, v1;
	v2 =	vadd.f32 v2, v3;
	v3 =	vmul.f32 v61, v59;
	_ =	sdelay $0x1  }
0x1cd: {  	v1 =	vadd.f32 v1, v2;
	v2 =	vmul.f32 v3, v32;
	_ =	sdelay $0x1  }
0x1ce: {  	v1 =	vadd.f32 v2, v1;
	_ =	sdelay $0x1  }
0x1cf: {  	v1 =	vadd.f32 v1, v33;
	_ =	sdelay $0x1  }
0x1d0: {  	v1 =	vsub.f32 $0.0e+00, v1;
	_ =	sdelay $0x1  }
0x1d1: {  	v1 =	vmul.f32 $1.442695020e+00, v1;
	_ =	sdelay $0x1  }
0x1d2: {  	(erf) = vpow2.f32 v1;
	_ =	sdelay $0x8  }
0x1d3: {  	v1 =	vpop (erf)  }
0x1d4: {  	v1 =	vadd.f32 $1.000000000e+00, v1;
	_ =	sdelay $0x1  }
0x1d5: {  	(erf) = vrcp.f32 v1;
	_ =	sdelay $0x7  }
0x1d6: {  	s2 =	sadd.s32 $0x1, s2  }
0x1d7: {  	p0 =	sne.s32 s2, s16;
	s24 =	sadd.s32 $0x10, s24;
	v1 =	vpop (erf)  }
.Ltmp1:
0x1d8: {  	[tilespmem:s24+$0x0] =	vst v1;
	(pc) =	sbr.rel @p0 .LBB2_1-.Ltmp1, $4  }
0x1d9: {  	[hbm4b:s15+s1] =	stream.linear.scatter [tilespmem:s0], [sflag:$0x2], $0x200, $0x38;
	[tilespmem:$0x8810] =	vst v63  }
0x1da: {  	_ =	swait.ge [sflag:s25], $0x200  }
0x1db: {  	[sflag:s25] =	ssyncset.done $0x0  }
0x1dc: {  	[sflag:s25] =	ssyncadd.s32 $0xFFFFFE00  }
0x1dd: {  	_ =	sfence.sel $0x180000  }
0x1de: {  	[bflag:$0x0] =	sbarrier.arrive $0xFFFF  }
0x1df: {  	_ =	strace $0x90000047  }
0x1e0: {  	s0 =	stileid.u32;
	[bflag:$0x2] =	sbarrier.arrive $0xFFFF  }
0x1e1: {  	p0 =	sne.s32 s0, $0x0;
	s0 =	rddreg [dreg:$0x4]  }
0x1e2: {  	s0 =	sadd.s32 @!p0 $0x100000, s0  }
0x1e3: {  	[sflag:s0] =	ssyncadd.tile.s32 @!p0 $0x1;
	_ =	shalt  }
.Lfunc_end2:
_tile_overlayer_lowered:
.L_overlay_start_2:
0x1e4: {  	(tag) =	ssettag $0x2  }
0x1e5: {  	s0 =	rddreg [dreg:$0x0];
	s2 =	stileid.u32  }
0x1e6: {  	s1 =	rddreg [dreg:$0x1];
	p0 =	sne.s32 s2, $0x0  }
0x1e7: {  	s3 =	rddreg [dreg:$0x2];
	[bflag:$0x3] =	sbarrier.arrive $0xFFFF;
	s2 =	simm.s32 @!p0 $0x1C02  }
0x1e8: {  	[timem:s3], [sflag:s2] =	dma.local @!p0 [hbm:s0], s1  }
0x1e9: {  	s0 =	simm.s32 @!p0 $0x2  }
0x1ea: {  	_ =	swait.ge @!p0 [sflag:s0], s1  }
0x1eb: {  	s1 =	ssub.s32 @!p0 $0x0, s1;
	[sflag:s0] =	ssyncset.done @!p0 $0x0  }
0x1ec: {  	[sflag:s0] =	ssyncadd.s32 @!p0 s1  }
0x1ed: {  	[bflag:$0x3] =	sbarrier.arrive $0xFFFF  }
0x1ee: {  	_ =	shalt  }

</sc_bundles>
